<compile_context>
chip_gen: v7x
topology: tpu7x:2x2x1
jax: 0.10.2.dev20260603
libtpu: 0.0.44.dev20260713+nightly
codegen_flags: <defaults>
</compile_context>

<pallas_src>
import functools

import jax
import jax.numpy as jnp
from jax import lax
from jax.experimental import pallas as pl
from jax.experimental.pallas import tpu as pltpu
from jax.experimental.pallas import tpu_sc as plsc

N = 8192
NT = 1536
OFF = 304
L = 8672
NEG_INF = float("-inf")

_STAGES = ((1, 541), (2, 541), (4, 540), (8, 540),
           (16, 539), (32, 537), (64, 533), (128, 525))


_GDN = lax.GatherDimensionNumbers(
    offset_dims=(), collapsed_slice_dims=(0,), start_index_map=(0,))


def _shuffle(v, idx):
    return lax.gather(v, idx[:, None], dimension_numbers=_GDN,
                      slice_sizes=(1,),
                      mode=lax.GatherScatterMode.PROMISE_IN_BOUNDS)


def _butterfly(v, op, iota16):
    for s in (1, 2, 4, 8):
        v = op(v, _shuffle(v, jnp.bitwise_xor(iota16, s)))
    return v


def _shift_max_pass(src, dst, stride, nchunks):
    def body(c, carry):
        base = 16 * c
        a = src[pl.ds(base, 16)]
        b = src[pl.ds(base + stride, 16)]
        dst[pl.ds(base, 16)] = jnp.maximum(a, b)
        return carry
    lax.fori_loop(0, nchunks, body, 0, unroll=4)


def _peaks_body(xh, out_h, y, buf_a, buf_b, sv):
    nw = 32
    tpw = NT // nw
    wid = lax.axis_index("s") * 2 + lax.axis_index("c")
    t0 = wid * tpw

    minf = jnp.full((16,), NEG_INF, jnp.float32)
    def fill_head(c, carry):
        y[pl.ds(16 * c, 16)] = minf
        return carry
    lax.fori_loop(0, OFF // 16, fill_head, 0)
    def fill_tail(c, carry):
        y[pl.ds(16 * c, 16)] = minf
        return carry
    lax.fori_loop((OFF + N) // 16, L // 16, fill_tail, 0)

    iota16 = lax.broadcasted_iota(jnp.int32, (16,), 0)
    big_i = jnp.full((16,), 2**31 - 1, jnp.int32)

    def do_trace(tt, carry):
        t = t0 + tt
        pltpu.sync_copy(xh.at[pl.ds(t * N, N)], y.at[pl.ds(OFF, N)])

        def abs_body(c, cc):
            base = 16 * c
            y[pl.ds(base, 16)] = jnp.abs(y[pl.ds(base, 16)])
            return cc
        lax.fori_loop(OFF // 16, (OFF + N) // 16, abs_body, 0, unroll=4)

        src, dst = y, buf_a
        for stride, nchunks in _STAGES:
            _shift_max_pass(src, dst, stride, nchunks)
            if dst is buf_a:
                src, dst = buf_a, buf_b
            else:
                src, dst = buf_b, buf_a

        def combine(c, carry):
            b1, i1, b2, i2 = carry
            base = 16 * c
            v = y[pl.ds(base + OFF, 16)]
            m = jnp.maximum(buf_b[pl.ds(base + 154, 16)],
                            buf_b[pl.ds(base + 199, 16)])
            masked = jnp.where(v == m, v, jnp.float32(0.0))
            idxv = iota16 + base
            gt1 = masked > b1
            gt2 = masked > b2
            b2n = jnp.where(gt1, b1, jnp.where(gt2, masked, b2))
            i2n = jnp.where(gt1, i1, jnp.where(gt2, idxv, i2))
            b1n = jnp.where(gt1, masked, b1)
            i1n = jnp.where(gt1, idxv, i1)
            return b1n, i1n, b2n, i2n

        init = (jnp.full((16,), -1.0, jnp.float32), jnp.zeros((16,), jnp.int32),
                jnp.full((16,), -1.0, jnp.float32), jnp.zeros((16,), jnp.int32))
        b1, i1, b2, i2 = lax.fori_loop(0, N // 16, combine, init, unroll=2)

        m1 = _butterfly(b1, jnp.maximum, iota16)
        i1s = _butterfly(jnp.where(b1 == m1, i1, big_i), jnp.minimum, iota16)
        lane_hit = i1 == i1s
        selv = jnp.where(lane_hit, b2, b1)
        seli = jnp.where(lane_hit, i2, i1)
        m2 = _butterfly(selv, jnp.maximum, iota16)
        i2s = _butterfly(jnp.where(selv == m2, seli, big_i), jnp.minimum,
                         iota16)

        packed = jnp.where(
            iota16 < 2, jnp.where(iota16 == 0, m1, m2),
            lax.bitcast_convert_type(jnp.where(iota16 == 2, i1s, i2s),
                                     jnp.float32))
        sv[pl.ds(16 * tt, 16)] = packed
        return carry

    lax.fori_loop(0, tpw, do_trace, 0)

    pltpu.sync_copy(sv, out_h.at[pl.ds(wid * tpw * 16, tpw * 16)])


@jax.jit
def _peaks(x2d):
    mesh = plsc.VectorSubcoreMesh(core_axis_name="c", subcore_axis_name="s")
    tpw = NT // 32
    run = functools.partial(
        pl.kernel,
        mesh=mesh,
        out_type=jax.ShapeDtypeStruct((NT * 16,), jnp.float32),
        scratch_types=[
            pltpu.VMEM((L,), jnp.float32),
            pltpu.VMEM((L,), jnp.float32),
            pltpu.VMEM((L,), jnp.float32),
            pltpu.VMEM((tpw * 16,), jnp.float32),
        ],
    )(_peaks_body)
    return run(x2d)


def kernel(xcorr, nlag):
    nb, nc, nx, n = xcorr.shape
    x1d = xcorr.reshape(nb * nc * nx * n)
    packed = _peaks(x1d).reshape(NT, 16)
    scores = packed[:, 0:2]
    idx = lax.bitcast_convert_type(packed[:, 2:4], jnp.int32)
    return scores.reshape(nb, nc, nx, 2), idx.reshape(nb, nc, nx, 2)

# --- scband reference (transcript-rebuilt; emitter-appended) ---
"""Pipeline reference for scband-detect-peaks-tm-76012331205179 (READ-ONLY COPY).

The authoritative reference and input builder live on the scoring server;
editing this copy changes nothing except your own understanding.
"""

import jax, jax.numpy as jnp
import numpy as np

KERNEL = 301
STRIDE = 1
TOPK = 2
VABS = True


def setup_inputs(seed: int = 0) -> dict:
    key = jax.random.key(seed)
    xcorr = jax.random.normal(key, (8, 3, 64, 8192), dtype=jnp.float32)
    return {"xcorr": xcorr, "nlag": 4096}


def reference(xcorr, nlag):
    # meta = {'xcorr': xcorr, 'nlag': nlag}; info1/info2 lack begin_time/traveltime,
    # so the datetime branch is skipped. The core SparseCore-relevant compute is:
    # abs -> sliding-window max (max_pool2d with kernel (1,K), stride 1, pad K//2,
    # implicit -inf padding) -> local-peak mask -> per-trace top-k over time axis.
    x = jnp.abs(xcorr) if VABS else xcorr
    pad = KERNEL // 2
    xp = jnp.pad(
        x,
        ((0, 0), (0, 0), (0, 0), (pad, pad)),
        mode="constant",
        constant_values=-jnp.inf,
    )
    n = x.shape[-1]

    def body(k, acc):
        window = jax.lax.dynamic_slice_in_dim(xp, k, n, axis=3)
        return jnp.maximum(acc, window)

    smax = jax.lax.fori_loop(0, KERNEL, body, jnp.full_like(x, -jnp.inf))
    keep = (smax == x).astype(x.dtype)
    topk_score, topk_idx = jax.lax.top_k(x * keep, TOPK)  # sorted descending, like torch.topk
    return topk_score, topk_idx

if __name__ == "__main__":
    import jax
    _d = setup_inputs()
    print(jax.jit(kernel)(*tuple(_d.values())))

</pallas_src>

<mosaic_0001>
#map = affine_map<(d0, d1) -> (0)>
module attributes {stable_mosaic.version = 14 : i64} {
  func.func @_peaks_body(%arg0: i32, %arg1: i32, %arg2: memref<12582912xf32, #tpu.memory_space<hbm>>, %arg3: memref<24576xf32, #tpu.memory_space<hbm>>, %arg4: memref<8672xf32, #tpu.memory_space<vmem>>, %arg5: memref<8672xf32, #tpu.memory_space<vmem>>, %arg6: memref<8672xf32, #tpu.memory_space<vmem>>, %arg7: memref<768xf32, #tpu.memory_space<vmem>>) attributes {dimension_semantics = [#tpu.dimension_semantics<core_parallel>, #tpu.dimension_semantics<subcore_parallel>], iteration_bounds = array<i64: 2, 16>, scalar_prefetch = 0 : i64, scratch_operands = 4 : i64, tpu.core_type = #tpu.core_type<sc_vector_subcore>, window_params = [{transform_indices = #map}, {transform_indices = #map}]} {
    %mul3A = arith.constant 2 : i32
    %mul3A_0 = arith.muli %arg1, %mul3A : i32
    %add3A = arith.addi %mul3A_0, %arg0 : i32
    %mul3A_1 = arith.constant 48 : i32
    %mul3A_2 = arith.muli %add3A, %mul3A_1 : i32
    %broadcast_in_dim3A = arith.constant 0xFF800000 : f32
    %broadcast_in_dim3A_3 = vector.broadcast %broadcast_in_dim3A : f32 to vector<16xf32>
    %scan3A = arith.constant 0 : i32
    %scan3A_4 = arith.constant 0 : i32
    %scan3A_5 = arith.constant 19 : i32
    %scan3A_6 = arith.addi %scan3A_4, %scan3A_5 : i32
    %scan3A_7 = arith.constant 1 : i32
    scf.for %scan3A_27 = %scan3A_4 to %scan3A_6 step %scan3A_7  : i32 {
      %mul3A_28 = arith.constant 16 : i32
      %mul3A_29 = arith.muli %mul3A_28, %scan3A_27 : i32
      %swap3A = arith.index_cast %mul3A_29 : i32 to index
      %swap3A_30 = tpu.vector_load %arg4[%swap3A] {strides = array<i32>} : memref<8672xf32, #tpu.memory_space<vmem>>, vector<16xf32>,
      %swap3A_31 = vector.shape_cast %swap3A_30 : vector<16xf32> to vector<16xf32>
      %swap3A_32 = vector.shape_cast %broadcast_in_dim3A_3 : vector<16xf32> to vector<16xf32>
      tpu.vector_store %arg4[%swap3A], %swap3A_32 {strides = array<i32>} : memref<8672xf32, #tpu.memory_space<vmem>>, vector<16xf32>,
    }
    %scan3A_8 = arith.constant 19 : i32
    %scan3A_9 = arith.constant 0 : i32
    %scan3A_10 = arith.constant 531 : i32
    %scan3A_11 = arith.constant 11 : i32
    %scan3A_12 = arith.addi %scan3A_10, %scan3A_11 : i32
    %scan3A_13 = arith.constant 1 : i32
    scf.for %scan3A_27 = %scan3A_10 to %scan3A_12 step %scan3A_13  : i32 {
      %mul3A_28 = arith.constant 16 : i32
      %mul3A_29 = arith.muli %mul3A_28, %scan3A_27 : i32
      %swap3A = arith.index_cast %mul3A_29 : i32 to index
      %swap3A_30 = tpu.vector_load %arg4[%swap3A] {strides = array<i32>} : memref<8672xf32, #tpu.memory_space<vmem>>, vector<16xf32>,
      %swap3A_31 = vector.shape_cast %swap3A_30 : vector<16xf32> to vector<16xf32>
      %swap3A_32 = vector.shape_cast %broadcast_in_dim3A_3 : vector<16xf32> to vector<16xf32>
      tpu.vector_store %arg4[%swap3A], %swap3A_32 {strides = array<i32>} : memref<8672xf32, #tpu.memory_space<vmem>>, vector<16xf32>,
    }
    %scan3A_14 = arith.constant 11 : i32
    %iota3A = tpu.iota {dimensions = array<i32: 0>} : vector<16xi32>
    %broadcast_in_dim3A_15 = arith.constant 2147483647 : i32
    %broadcast_in_dim3A_16 = vector.broadcast %broadcast_in_dim3A_15 : i32 to vector<16xi32>
    %scan3A_17 = arith.constant 0 : i32
    %scan3A_18 = arith.constant 0 : i32
    %scan3A_19 = arith.constant 48 : i32
    %scan3A_20 = arith.addi %scan3A_18, %scan3A_19 : i32
    %scan3A_21 = arith.constant 1 : i32
    scf.for %scan3A_27 = %scan3A_18 to %scan3A_20 step %scan3A_21  : i32 {
      %add3A_28 = arith.addi %mul3A_2, %scan3A_27 : i32
      %mul3A_29 = arith.constant 8192 : i32
      %mul3A_30 = arith.muli %add3A_28, %mul3A_29 : i32
      "tpu.region"() ({
        %run_scoped3A = tpu.sem_alloc : memref<!tpu.dma_semaphore, #tpu.memory_space<semaphore_mem>>
        %dma_start3A = arith.constant 304 : i32
        %dma_start3A_363 = tpu.memref_slice %arg4[%dma_start3A] : memref<8672xf32, #tpu.memory_space<vmem>> -> memref<8192xf32, #tpu.memory_space<vmem>>
        %dma_start3A_364 = tpu.memref_slice %arg2[%mul3A_30] : memref<12582912xf32, #tpu.memory_space<hbm>> -> memref<8192xf32, #tpu.memory_space<hbm>>
        %dma_start3A_365 = arith.constant 304 : i32
        %dma_start3A_366 = tpu.memref_slice %arg4[%dma_start3A_365] : memref<8672xf32, #tpu.memory_space<vmem>> -> memref<8192xf32, #tpu.memory_space<vmem>>
        %dma_start3A_367 = tpu.memref_slice %arg2[%mul3A_30] : memref<12582912xf32, #tpu.memory_space<hbm>> -> memref<8192xf32, #tpu.memory_space<hbm>>
        tpu.enqueue_dma source(%dma_start3A_367 : memref<8192xf32, #tpu.memory_space<hbm>>) target(%dma_start3A_366 : memref<8192xf32, #tpu.memory_space<vmem>>) target_semaphore(%run_scoped3A : memref<!tpu.dma_semaphore, #tpu.memory_space<semaphore_mem>>)
        %dma_wait3A = arith.constant 304 : i32
        %dma_wait3A_368 = tpu.memref_slice %arg4[%dma_wait3A] : memref<8672xf32, #tpu.memory_space<vmem>> -> memref<8192xf32, #tpu.memory_space<vmem>>
        %dma_wait3A_369 = tpu.memref_slice %arg2[%mul3A_30] : memref<12582912xf32, #tpu.memory_space<hbm>> -> memref<8192xf32, #tpu.memory_space<hbm>>
        %dma_wait3A_370 = arith.constant 304 : i32
        %dma_wait3A_371 = tpu.memref_slice %arg4[%dma_wait3A_370] : memref<8672xf32, #tpu.memory_space<vmem>> -> memref<8192xf32, #tpu.memory_space<vmem>>
        %dma_wait3A_372 = tpu.memref_slice %arg2[%mul3A_30] : memref<12582912xf32, #tpu.memory_space<hbm>> -> memref<8192xf32, #tpu.memory_space<hbm>>
        tpu.wait_dma2 semaphore(%run_scoped3A : memref<!tpu.dma_semaphore, #tpu.memory_space<semaphore_mem>>) src(%dma_wait3A_372 : memref<8192xf32, #tpu.memory_space<hbm>>) dst(%dma_wait3A_371 : memref<8192xf32, #tpu.memory_space<vmem>>)
        tpu.yield
      }) : () -> ()
      %scan3A_31 = arith.constant 0 : i32
      %scan3A_32 = arith.constant 19 : i32
      %scan3A_33 = arith.constant 512 : i32
      %scan3A_34 = arith.addi %scan3A_32, %scan3A_33 : i32
      %scan3A_35 = arith.constant 4 : i32
      scf.for %scan3A_363 = %scan3A_32 to %scan3A_34 step %scan3A_35  : i32 {
        %mul3A_364 = arith.constant 16 : i32
        %mul3A_365 = arith.muli %mul3A_364, %scan3A_363 : i32
        %get3A_366 = arith.index_cast %mul3A_365 : i32 to index
        %get3A_367 = tpu.vector_load %arg4[%get3A_366] {strides = array<i32>} : memref<8672xf32, #tpu.memory_space<vmem>>, vector<16xf32>,
        %get3A_368 = vector.shape_cast %get3A_367 : vector<16xf32> to vector<16xf32>
        %abs3A = math.absf %get3A_368 : vector<16xf32>
        %swap3A_369 = arith.index_cast %mul3A_365 : i32 to index
        %swap3A_370 = tpu.vector_load %arg4[%swap3A_369] {strides = array<i32>} : memref<8672xf32, #tpu.memory_space<vmem>>, vector<16xf32>,
        %swap3A_371 = vector.shape_cast %swap3A_370 : vector<16xf32> to vector<16xf32>
        %swap3A_372 = vector.shape_cast %abs3A : vector<16xf32> to vector<16xf32>
        tpu.vector_store %arg4[%swap3A_369], %swap3A_372 {strides = array<i32>} : memref<8672xf32, #tpu.memory_space<vmem>>, vector<16xf32>,
        %scan3A_373 = arith.constant 1 : i32
        %scan3A_374 = arith.addi %scan3A_363, %scan3A_373 : i32
        %mul3A_375 = arith.constant 16 : i32
        %mul3A_376 = arith.muli %mul3A_375, %scan3A_374 : i32
        %get3A_377 = arith.index_cast %mul3A_376 : i32 to index
        %get3A_378 = tpu.vector_load %arg4[%get3A_377] {strides = array<i32>} : memref<8672xf32, #tpu.memory_space<vmem>>, vector<16xf32>,
        %get3A_379 = vector.shape_cast %get3A_378 : vector<16xf32> to vector<16xf32>
        %abs3A_380 = math.absf %get3A_379 : vector<16xf32>
        %swap3A_381 = arith.index_cast %mul3A_376 : i32 to index
        %swap3A_382 = tpu.vector_load %arg4[%swap3A_381] {strides = array<i32>} : memref<8672xf32, #tpu.memory_space<vmem>>, vector<16xf32>,
        %swap3A_383 = vector.shape_cast %swap3A_382 : vector<16xf32> to vector<16xf32>
        %swap3A_384 = vector.shape_cast %abs3A_380 : vector<16xf32> to vector<16xf32>
        tpu.vector_store %arg4[%swap3A_381], %swap3A_384 {strides = array<i32>} : memref<8672xf32, #tpu.memory_space<vmem>>, vector<16xf32>,
        %scan3A_385 = arith.constant 2 : i32
        %scan3A_386 = arith.addi %scan3A_363, %scan3A_385 : i32
        %mul3A_387 = arith.constant 16 : i32
        %mul3A_388 = arith.muli %mul3A_387, %scan3A_386 : i32
        %get3A_389 = arith.index_cast %mul3A_388 : i32 to index
        %get3A_390 = tpu.vector_load %arg4[%get3A_389] {strides = array<i32>} : memref<8672xf32, #tpu.memory_space<vmem>>, vector<16xf32>,
        %get3A_391 = vector.shape_cast %get3A_390 : vector<16xf32> to vector<16xf32>
        %abs3A_392 = math.absf %get3A_391 : vector<16xf32>
        %swap3A_393 = arith.index_cast %mul3A_388 : i32 to index
        %swap3A_394 = tpu.vector_load %arg4[%swap3A_393] {strides = array<i32>} : memref<8672xf32, #tpu.memory_space<vmem>>, vector<16xf32>,
        %swap3A_395 = vector.shape_cast %swap3A_394 : vector<16xf32> to vector<16xf32>
        %swap3A_396 = vector.shape_cast %abs3A_392 : vector<16xf32> to vector<16xf32>
        tpu.vector_store %arg4[%swap3A_393], %swap3A_396 {strides = array<i32>} : memref<8672xf32, #tpu.memory_space<vmem>>, vector<16xf32>,
        %scan3A_397 = arith.constant 3 : i32
        %scan3A_398 = arith.addi %scan3A_363, %scan3A_397 : i32
        %mul3A_399 = arith.constant 16 : i32
        %mul3A_400 = arith.muli %mul3A_399, %scan3A_398 : i32
        %get3A_401 = arith.index_cast %mul3A_400 : i32 to index
        %get3A_402 = tpu.vector_load %arg4[%get3A_401] {strides = array<i32>} : memref<8672xf32, #tpu.memory_space<vmem>>, vector<16xf32>,
        %get3A_403 = vector.shape_cast %get3A_402 : vector<16xf32> to vector<16xf32>
        %abs3A_404 = math.absf %get3A_403 : vector<16xf32>
        %swap3A_405 = arith.index_cast %mul3A_400 : i32 to index
        %swap3A_406 = tpu.vector_load %arg4[%swap3A_405] {strides = array<i32>} : memref<8672xf32, #tpu.memory_space<vmem>>, vector<16xf32>,
        %swap3A_407 = vector.shape_cast %swap3A_406 : vector<16xf32> to vector<16xf32>
        %swap3A_408 = vector.shape_cast %abs3A_404 : vector<16xf32> to vector<16xf32>
        tpu.vector_store %arg4[%swap3A_405], %swap3A_408 {strides = array<i32>} : memref<8672xf32, #tpu.memory_space<vmem>>, vector<16xf32>,
      }
      %scan3A_36 = arith.constant 512 : i32
      %scan3A_37 = arith.constant 0 : i32
      %scan3A_38 = arith.constant 0 : i32
      %scan3A_39 = arith.constant 540 : i32
      %scan3A_40 = arith.addi %scan3A_38, %scan3A_39 : i32
      %scan3A_41 = arith.constant 4 : i32
      scf.for %scan3A_363 = %scan3A_38 to %scan3A_40 step %scan3A_41  : i32 {
        %mul3A_364 = arith.constant 16 : i32
        %mul3A_365 = arith.muli %mul3A_364, %scan3A_363 : i32
        %get3A_366 = arith.index_cast %mul3A_365 : i32 to index
        %get3A_367 = tpu.vector_load %arg4[%get3A_366] {strides = array<i32>} : memref<8672xf32, #tpu.memory_space<vmem>>, vector<16xf32>,
        %get3A_368 = vector.shape_cast %get3A_367 : vector<16xf32> to vector<16xf32>
        %add3A_369 = arith.constant 1 : i32
        %add3A_370 = arith.addi %mul3A_365, %add3A_369 : i32
        %get3A_371 = arith.index_cast %add3A_370 : i32 to index
        %get3A_372 = tpu.vector_load %arg4[%get3A_371] {strides = array<i32>} : memref<8672xf32, #tpu.memory_space<vmem>>, vector<16xf32>,
        %get3A_373 = vector.shape_cast %get3A_372 : vector<16xf32> to vector<16xf32>
        %max3A_374 = arith.maximumf %get3A_368, %get3A_373 : vector<16xf32>
        %swap3A_375 = arith.index_cast %mul3A_365 : i32 to index
        %swap3A_376 = tpu.vector_load %arg5[%swap3A_375] {strides = array<i32>} : memref<8672xf32, #tpu.memory_space<vmem>>, vector<16xf32>,
        %swap3A_377 = vector.shape_cast %swap3A_376 : vector<16xf32> to vector<16xf32>
        %swap3A_378 = vector.shape_cast %max3A_374 : vector<16xf32> to vector<16xf32>
        tpu.vector_store %arg5[%swap3A_375], %swap3A_378 {strides = array<i32>} : memref<8672xf32, #tpu.memory_space<vmem>>, vector<16xf32>,
        %scan3A_379 = arith.constant 1 : i32
        %scan3A_380 = arith.addi %scan3A_363, %scan3A_379 : i32
        %mul3A_381 = arith.constant 16 : i32
        %mul3A_382 = arith.muli %mul3A_381, %scan3A_380 : i32
        %get3A_383 = arith.index_cast %mul3A_382 : i32 to index
        %get3A_384 = tpu.vector_load %arg4[%get3A_383] {strides = array<i32>} : memref<8672xf32, #tpu.memory_space<vmem>>, vector<16xf32>,
        %get3A_385 = vector.shape_cast %get3A_384 : vector<16xf32> to vector<16xf32>
        %add3A_386 = arith.constant 1 : i32
        %add3A_387 = arith.addi %mul3A_382, %add3A_386 : i32
        %get3A_388 = arith.index_cast %add3A_387 : i32 to index
        %get3A_389 = tpu.vector_load %arg4[%get3A_388] {strides = array<i32>} : memref<8672xf32, #tpu.memory_space<vmem>>, vector<16xf32>,
        %get3A_390 = vector.shape_cast %get3A_389 : vector<16xf32> to vector<16xf32>
        %max3A_391 = arith.maximumf %get3A_385, %get3A_390 : vector<16xf32>
        %swap3A_392 = arith.index_cast %mul3A_382 : i32 to index
        %swap3A_393 = tpu.vector_load %arg5[%swap3A_392] {strides = array<i32>} : memref<8672xf32, #tpu.memory_space<vmem>>, vector<16xf32>,
        %swap3A_394 = vector.shape_cast %swap3A_393 : vector<16xf32> to vector<16xf32>
        %swap3A_395 = vector.shape_cast %max3A_391 : vector<16xf32> to vector<16xf32>
        tpu.vector_store %arg5[%swap3A_392], %swap3A_395 {strides = array<i32>} : memref<8672xf32, #tpu.memory_space<vmem>>, vector<16xf32>,
        %scan3A_396 = arith.constant 2 : i32
        %scan3A_397 = arith.addi %scan3A_363, %scan3A_396 : i32
        %mul3A_398 = arith.constant 16 : i32
        %mul3A_399 = arith.muli %mul3A_398, %scan3A_397 : i32
        %get3A_400 = arith.index_cast %mul3A_399 : i32 to index
        %get3A_401 = tpu.vector_load %arg4[%get3A_400] {strides = array<i32>} : memref<8672xf32, #tpu.memory_space<vmem>>, vector<16xf32>,
        %get3A_402 = vector.shape_cast %get3A_401 : vector<16xf32> to vector<16xf32>
        %add3A_403 = arith.constant 1 : i32
        %add3A_404 = arith.addi %mul3A_399, %add3A_403 : i32
        %get3A_405 = arith.index_cast %add3A_404 : i32 to index
        %get3A_406 = tpu.vector_load %arg4[%get3A_405] {strides = array<i32>} : memref<8672xf32, #tpu.memory_space<vmem>>, vector<16xf32>,
        %get3A_407 = vector.shape_cast %get3A_406 : vector<16xf32> to vector<16xf32>
        %max3A_408 = arith.maximumf %get3A_402, %get3A_407 : vector<16xf32>
        %swap3A_409 = arith.index_cast %mul3A_399 : i32 to index
        %swap3A_410 = tpu.vector_load %arg5[%swap3A_409] {strides = array<i32>} : memref<8672xf32, #tpu.memory_space<vmem>>, vector<16xf32>,
        %swap3A_411 = vector.shape_cast %swap3A_410 : vector<16xf32> to vector<16xf32>
        %swap3A_412 = vector.shape_cast %max3A_408 : vector<16xf32> to vector<16xf32>
        tpu.vector_store %arg5[%swap3A_409], %swap3A_412 {strides = array<i32>} : memref<8672xf32, #tpu.memory_space<vmem>>, vector<16xf32>,
        %scan3A_413 = arith.constant 3 : i32
        %scan3A_414 = arith.addi %scan3A_363, %scan3A_413 : i32
        %mul3A_415 = arith.constant 16 : i32
        %mul3A_416 = arith.muli %mul3A_415, %scan3A_414 : i32
        %get3A_417 = arith.index_cast %mul3A_416 : i32 to index
        %get3A_418 = tpu.vector_load %arg4[%get3A_417] {strides = array<i32>} : memref<8672xf32, #tpu.memory_space<vmem>>, vector<16xf32>,
        %get3A_419 = vector.shape_cast %get3A_418 : vector<16xf32> to vector<16xf32>
        %add3A_420 = arith.constant 1 : i32
        %add3A_421 = arith.addi %mul3A_416, %add3A_420 : i32
        %get3A_422 = arith.index_cast %add3A_421 : i32 to index
        %get3A_423 = tpu.vector_load %arg4[%get3A_422] {strides = array<i32>} : memref<8672xf32, #tpu.memory_space<vmem>>, vector<16xf32>,
        %get3A_424 = vector.shape_cast %get3A_423 : vector<16xf32> to vector<16xf32>
        %max3A_425 = arith.maximumf %get3A_419, %get3A_424 : vector<16xf32>
        %swap3A_426 = arith.index_cast %mul3A_416 : i32 to index
        %swap3A_427 = tpu.vector_load %arg5[%swap3A_426] {strides = array<i32>} : memref<8672xf32, #tpu.memory_space<vmem>>, vector<16xf32>,
        %swap3A_428 = vector.shape_cast %swap3A_427 : vector<16xf32> to vector<16xf32>
        %swap3A_429 = vector.shape_cast %max3A_425 : vector<16xf32> to vector<16xf32>
        tpu.vector_store %arg5[%swap3A_426], %swap3A_429 {strides = array<i32>} : memref<8672xf32, #tpu.memory_space<vmem>>, vector<16xf32>,
      }
      %scan3A_42 = arith.constant 540 : i32
      %scan3A_43 = arith.addi %scan3A_38, %scan3A_42 : i32
      %mul3A_44 = arith.constant 16 : i32
      %mul3A_45 = arith.muli %mul3A_44, %scan3A_43 : i32
      %get3A = arith.index_cast %mul3A_45 : i32 to index
      %get3A_46 = tpu.vector_load %arg4[%get3A] {strides = array<i32>} : memref<8672xf32, #tpu.memory_space<vmem>>, vector<16xf32>,
      %get3A_47 = vector.shape_cast %get3A_46 : vector<16xf32> to vector<16xf32>
      %add3A_48 = arith.constant 1 : i32
      %add3A_49 = arith.addi %mul3A_45, %add3A_48 : i32
      %get3A_50 = arith.index_cast %add3A_49 : i32 to index
      %get3A_51 = tpu.vector_load %arg4[%get3A_50] {strides = array<i32>} : memref<8672xf32, #tpu.memory_space<vmem>>, vector<16xf32>,
      %get3A_52 = vector.shape_cast %get3A_51 : vector<16xf32> to vector<16xf32>
      %max3A = arith.maximumf %get3A_47, %get3A_52 : vector<16xf32>
      %swap3A = arith.index_cast %mul3A_45 : i32 to index
      %swap3A_53 = tpu.vector_load %arg5[%swap3A] {strides = array<i32>} : memref<8672xf32, #tpu.memory_space<vmem>>, vector<16xf32>,
      %swap3A_54 = vector.shape_cast %swap3A_53 : vector<16xf32> to vector<16xf32>
      %swap3A_55 = vector.shape_cast %max3A : vector<16xf32> to vector<16xf32>
      tpu.vector_store %arg5[%swap3A], %swap3A_55 {strides = array<i32>} : memref<8672xf32, #tpu.memory_space<vmem>>, vector<16xf32>,
      %scan3A_56 = arith.constant 541 : i32
      %scan3A_57 = arith.constant 0 : i32
      %scan3A_58 = arith.constant 0 : i32
      %scan3A_59 = arith.constant 540 : i32
      %scan3A_60 = arith.addi %scan3A_58, %scan3A_59 : i32
      %scan3A_61 = arith.constant 4 : i32
      scf.for %scan3A_363 = %scan3A_58 to %scan3A_60 step %scan3A_61  : i32 {
        %mul3A_364 = arith.constant 16 : i32
        %mul3A_365 = arith.muli %mul3A_364, %scan3A_363 : i32
        %get3A_366 = arith.index_cast %mul3A_365 : i32 to index
        %get3A_367 = tpu.vector_load %arg5[%get3A_366] {strides = array<i32>} : memref<8672xf32, #tpu.memory_space<vmem>>, vector<16xf32>,
        %get3A_368 = vector.shape_cast %get3A_367 : vector<16xf32> to vector<16xf32>
        %add3A_369 = arith.constant 2 : i32
        %add3A_370 = arith.addi %mul3A_365, %add3A_369 : i32
        %get3A_371 = arith.index_cast %add3A_370 : i32 to index
        %get3A_372 = tpu.vector_load %arg5[%get3A_371] {strides = array<i32>} : memref<8672xf32, #tpu.memory_space<vmem>>, vector<16xf32>,
        %get3A_373 = vector.shape_cast %get3A_372 : vector<16xf32> to vector<16xf32>
        %max3A_374 = arith.maximumf %get3A_368, %get3A_373 : vector<16xf32>
        %swap3A_375 = arith.index_cast %mul3A_365 : i32 to index
        %swap3A_376 = tpu.vector_load %arg6[%swap3A_375] {strides = array<i32>} : memref<8672xf32, #tpu.memory_space<vmem>>, vector<16xf32>,
        %swap3A_377 = vector.shape_cast %swap3A_376 : vector<16xf32> to vector<16xf32>
        %swap3A_378 = vector.shape_cast %max3A_374 : vector<16xf32> to vector<16xf32>
        tpu.vector_store %arg6[%swap3A_375], %swap3A_378 {strides = array<i32>} : memref<8672xf32, #tpu.memory_space<vmem>>, vector<16xf32>,
        %scan3A_379 = arith.constant 1 : i32
        %scan3A_380 = arith.addi %scan3A_363, %scan3A_379 : i32
        %mul3A_381 = arith.constant 16 : i32
        %mul3A_382 = arith.muli %mul3A_381, %scan3A_380 : i32
        %get3A_383 = arith.index_cast %mul3A_382 : i32 to index
        %get3A_384 = tpu.vector_load %arg5[%get3A_383] {strides = array<i32>} : memref<8672xf32, #tpu.memory_space<vmem>>, vector<16xf32>,
        %get3A_385 = vector.shape_cast %get3A_384 : vector<16xf32> to vector<16xf32>
        %add3A_386 = arith.constant 2 : i32
        %add3A_387 = arith.addi %mul3A_382, %add3A_386 : i32
        %get3A_388 = arith.index_cast %add3A_387 : i32 to index
        %get3A_389 = tpu.vector_load %arg5[%get3A_388] {strides = array<i32>} : memref<8672xf32, #tpu.memory_space<vmem>>, vector<16xf32>,
        %get3A_390 = vector.shape_cast %get3A_389 : vector<16xf32> to vector<16xf32>
        %max3A_391 = arith.maximumf %get3A_385, %get3A_390 : vector<16xf32>
        %swap3A_392 = arith.index_cast %mul3A_382 : i32 to index
        %swap3A_393 = tpu.vector_load %arg6[%swap3A_392] {strides = array<i32>} : memref<8672xf32, #tpu.memory_space<vmem>>, vector<16xf32>,
        %swap3A_394 = vector.shape_cast %swap3A_393 : vector<16xf32> to vector<16xf32>
        %swap3A_395 = vector.shape_cast %max3A_391 : vector<16xf32> to vector<16xf32>
        tpu.vector_store %arg6[%swap3A_392], %swap3A_395 {strides = array<i32>} : memref<8672xf32, #tpu.memory_space<vmem>>, vector<16xf32>,
        %scan3A_396 = arith.constant 2 : i32
        %scan3A_397 = arith.addi %scan3A_363, %scan3A_396 : i32
        %mul3A_398 = arith.constant 16 : i32
        %mul3A_399 = arith.muli %mul3A_398, %scan3A_397 : i32
        %get3A_400 = arith.index_cast %mul3A_399 : i32 to index
        %get3A_401 = tpu.vector_load %arg5[%get3A_400] {strides = array<i32>} : memref<8672xf32, #tpu.memory_space<vmem>>, vector<16xf32>,
        %get3A_402 = vector.shape_cast %get3A_401 : vector<16xf32> to vector<16xf32>
        %add3A_403 = arith.constant 2 : i32
        %add3A_404 = arith.addi %mul3A_399, %add3A_403 : i32
        %get3A_405 = arith.index_cast %add3A_404 : i32 to index
        %get3A_406 = tpu.vector_load %arg5[%get3A_405] {strides = array<i32>} : memref<8672xf32, #tpu.memory_space<vmem>>, vector<16xf32>,
        %get3A_407 = vector.shape_cast %get3A_406 : vector<16xf32> to vector<16xf32>
        %max3A_408 = arith.maximumf %get3A_402, %get3A_407 : vector<16xf32>
        %swap3A_409 = arith.index_cast %mul3A_399 : i32 to index
        %swap3A_410 = tpu.vector_load %arg6[%swap3A_409] {strides = array<i32>} : memref<8672xf32, #tpu.memory_space<vmem>>, vector<16xf32>,
        %swap3A_411 = vector.shape_cast %swap3A_410 : vector<16xf32> to vector<16xf32>
        %swap3A_412 = vector.shape_cast %max3A_408 : vector<16xf32> to vector<16xf32>
        tpu.vector_store %arg6[%swap3A_409], %swap3A_412 {strides = array<i32>} : memref<8672xf32, #tpu.memory_space<vmem>>, vector<16xf32>,
        %scan3A_413 = arith.constant 3 : i32
        %scan3A_414 = arith.addi %scan3A_363, %scan3A_413 : i32
        %mul3A_415 = arith.constant 16 : i32
        %mul3A_416 = arith.muli %mul3A_415, %scan3A_414 : i32
        %get3A_417 = arith.index_cast %mul3A_416 : i32 to index
        %get3A_418 = tpu.vector_load %arg5[%get3A_417] {strides = array<i32>} : memref<8672xf32, #tpu.memory_space<vmem>>, vector<16xf32>,
        %get3A_419 = vector.shape_cast %get3A_418 : vector<16xf32> to vector<16xf32>
        %add3A_420 = arith.constant 2 : i32
        %add3A_421 = arith.addi %mul3A_416, %add3A_420 : i32
        %get3A_422 = arith.index_cast %add3A_421 : i32 to index
        %get3A_423 = tpu.vector_load %arg5[%get3A_422] {strides = array<i32>} : memref<8672xf32, #tpu.memory_space<vmem>>, vector<16xf32>,
        %get3A_424 = vector.shape_cast %get3A_423 : vector<16xf32> to vector<16xf32>
        %max3A_425 = arith.maximumf %get3A_419, %get3A_424 : vector<16xf32>
        %swap3A_426 = arith.index_cast %mul3A_416 : i32 to index
        %swap3A_427 = tpu.vector_load %arg6[%swap3A_426] {strides = array<i32>} : memref<8672xf32, #tpu.memory_space<vmem>>, vector<16xf32>,
        %swap3A_428 = vector.shape_cast %swap3A_427 : vector<16xf32> to vector<16xf32>
        %swap3A_429 = vector.shape_cast %max3A_425 : vector<16xf32> to vector<16xf32>
        tpu.vector_store %arg6[%swap3A_426], %swap3A_429 {strides = array<i32>} : memref<8672xf32, #tpu.memory_space<vmem>>, vector<16xf32>,
      }
      %scan3A_62 = arith.constant 540 : i32
      %scan3A_63 = arith.addi %scan3A_58, %scan3A_62 : i32
      %mul3A_64 = arith.constant 16 : i32
      %mul3A_65 = arith.muli %mul3A_64, %scan3A_63 : i32
      %get3A_66 = arith.index_cast %mul3A_65 : i32 to index
      %get3A_67 = tpu.vector_load %arg5[%get3A_66] {strides = array<i32>} : memref<8672xf32, #tpu.memory_space<vmem>>, vector<16xf32>,
      %get3A_68 = vector.shape_cast %get3A_67 : vector<16xf32> to vector<16xf32>
      %add3A_69 = arith.constant 2 : i32
      %add3A_70 = arith.addi %mul3A_65, %add3A_69 : i32
      %get3A_71 = arith.index_cast %add3A_70 : i32 to index
      %get3A_72 = tpu.vector_load %arg5[%get3A_71] {strides = array<i32>} : memref<8672xf32, #tpu.memory_space<vmem>>, vector<16xf32>,
      %get3A_73 = vector.shape_cast %get3A_72 : vector<16xf32> to vector<16xf32>
      %max3A_74 = arith.maximumf %get3A_68, %get3A_73 : vector<16xf32>
      %swap3A_75 = arith.index_cast %mul3A_65 : i32 to index
      %swap3A_76 = tpu.vector_load %arg6[%swap3A_75] {strides = array<i32>} : memref<8672xf32, #tpu.memory_space<vmem>>, vector<16xf32>,
      %swap3A_77 = vector.shape_cast %swap3A_76 : vector<16xf32> to vector<16xf32>
      %swap3A_78 = vector.shape_cast %max3A_74 : vector<16xf32> to vector<16xf32>
      tpu.vector_store %arg6[%swap3A_75], %swap3A_78 {strides = array<i32>} : memref<8672xf32, #tpu.memory_space<vmem>>, vector<16xf32>,
      %scan3A_79 = arith.constant 541 : i32
      %scan3A_80 = arith.constant 0 : i32
      %scan3A_81 = arith.constant 0 : i32
      %scan3A_82 = arith.constant 540 : i32
      %scan3A_83 = arith.addi %scan3A_81, %scan3A_82 : i32
      %scan3A_84 = arith.constant 4 : i32
      scf.for %scan3A_363 = %scan3A_81 to %scan3A_83 step %scan3A_84  : i32 {
        %mul3A_364 = arith.constant 16 : i32
        %mul3A_365 = arith.muli %mul3A_364, %scan3A_363 : i32
        %get3A_366 = arith.index_cast %mul3A_365 : i32 to index
        %get3A_367 = tpu.vector_load %arg6[%get3A_366] {strides = array<i32>} : memref<8672xf32, #tpu.memory_space<vmem>>, vector<16xf32>,
        %get3A_368 = vector.shape_cast %get3A_367 : vector<16xf32> to vector<16xf32>
        %add3A_369 = arith.constant 4 : i32
        %add3A_370 = arith.addi %mul3A_365, %add3A_369 : i32
        %get3A_371 = arith.index_cast %add3A_370 : i32 to index
        %get3A_372 = tpu.vector_load %arg6[%get3A_371] {strides = array<i32>} : memref<8672xf32, #tpu.memory_space<vmem>>, vector<16xf32>,
        %get3A_373 = vector.shape_cast %get3A_372 : vector<16xf32> to vector<16xf32>
        %max3A_374 = arith.maximumf %get3A_368, %get3A_373 : vector<16xf32>
        %swap3A_375 = arith.index_cast %mul3A_365 : i32 to index
        %swap3A_376 = tpu.vector_load %arg5[%swap3A_375] {strides = array<i32>} : memref<8672xf32, #tpu.memory_space<vmem>>, vector<16xf32>,
        %swap3A_377 = vector.shape_cast %swap3A_376 : vector<16xf32> to vector<16xf32>
        %swap3A_378 = vector.shape_cast %max3A_374 : vector<16xf32> to vector<16xf32>
        tpu.vector_store %arg5[%swap3A_375], %swap3A_378 {strides = array<i32>} : memref<8672xf32, #tpu.memory_space<vmem>>, vector<16xf32>,
        %scan3A_379 = arith.constant 1 : i32
        %scan3A_380 = arith.addi %scan3A_363, %scan3A_379 : i32
        %mul3A_381 = arith.constant 16 : i32
        %mul3A_382 = arith.muli %mul3A_381, %scan3A_380 : i32
        %get3A_383 = arith.index_cast %mul3A_382 : i32 to index
        %get3A_384 = tpu.vector_load %arg6[%get3A_383] {strides = array<i32>} : memref<8672xf32, #tpu.memory_space<vmem>>, vector<16xf32>,
        %get3A_385 = vector.shape_cast %get3A_384 : vector<16xf32> to vector<16xf32>
        %add3A_386 = arith.constant 4 : i32
        %add3A_387 = arith.addi %mul3A_382, %add3A_386 : i32
        %get3A_388 = arith.index_cast %add3A_387 : i32 to index
        %get3A_389 = tpu.vector_load %arg6[%get3A_388] {strides = array<i32>} : memref<8672xf32, #tpu.memory_space<vmem>>, vector<16xf32>,
        %get3A_390 = vector.shape_cast %get3A_389 : vector<16xf32> to vector<16xf32>
        %max3A_391 = arith.maximumf %get3A_385, %get3A_390 : vector<16xf32>
        %swap3A_392 = arith.index_cast %mul3A_382 : i32 to index
        %swap3A_393 = tpu.vector_load %arg5[%swap3A_392] {strides = array<i32>} : memref<8672xf32, #tpu.memory_space<vmem>>, vector<16xf32>,
        %swap3A_394 = vector.shape_cast %swap3A_393 : vector<16xf32> to vector<16xf32>
        %swap3A_395 = vector.shape_cast %max3A_391 : vector<16xf32> to vector<16xf32>
        tpu.vector_store %arg5[%swap3A_392], %swap3A_395 {strides = array<i32>} : memref<8672xf32, #tpu.memory_space<vmem>>, vector<16xf32>,
        %scan3A_396 = arith.constant 2 : i32
        %scan3A_397 = arith.addi %scan3A_363, %scan3A_396 : i32
        %mul3A_398 = arith.constant 16 : i32
        %mul3A_399 = arith.muli %mul3A_398, %scan3A_397 : i32
        %get3A_400 = arith.index_cast %mul3A_399 : i32 to index
        %get3A_401 = tpu.vector_load %arg6[%get3A_400] {strides = array<i32>} : memref<8672xf32, #tpu.memory_space<vmem>>, vector<16xf32>,
        %get3A_402 = vector.shape_cast %get3A_401 : vector<16xf32> to vector<16xf32>
        %add3A_403 = arith.constant 4 : i32
        %add3A_404 = arith.addi %mul3A_399, %add3A_403 : i32
        %get3A_405 = arith.index_cast %add3A_404 : i32 to index
        %get3A_406 = tpu.vector_load %arg6[%get3A_405] {strides = array<i32>} : memref<8672xf32, #tpu.memory_space<vmem>>, vector<16xf32>,
        %get3A_407 = vector.shape_cast %get3A_406 : vector<16xf32> to vector<16xf32>
        %max3A_408 = arith.maximumf %get3A_402, %get3A_407 : vector<16xf32>
        %swap3A_409 = arith.index_cast %mul3A_399 : i32 to index
        %swap3A_410 = tpu.vector_load %arg5[%swap3A_409] {strides = array<i32>} : memref<8672xf32, #tpu.memory_space<vmem>>, vector<16xf32>,
        %swap3A_411 = vector.shape_cast %swap3A_410 : vector<16xf32> to vector<16xf32>
        %swap3A_412 = vector.shape_cast %max3A_408 : vector<16xf32> to vector<16xf32>
        tpu.vector_store %arg5[%swap3A_409], %swap3A_412 {strides = array<i32>} : memref<8672xf32, #tpu.memory_space<vmem>>, vector<16xf32>,
        %scan3A_413 = arith.constant 3 : i32
        %scan3A_414 = arith.addi %scan3A_363, %scan3A_413 : i32
        %mul3A_415 = arith.constant 16 : i32
        %mul3A_416 = arith.muli %mul3A_415, %scan3A_414 : i32
        %get3A_417 = arith.index_cast %mul3A_416 : i32 to index
        %get3A_418 = tpu.vector_load %arg6[%get3A_417] {strides = array<i32>} : memref<8672xf32, #tpu.memory_space<vmem>>, vector<16xf32>,
        %get3A_419 = vector.shape_cast %get3A_418 : vector<16xf32> to vector<16xf32>
        %add3A_420 = arith.constant 4 : i32
        %add3A_421 = arith.addi %mul3A_416, %add3A_420 : i32
        %get3A_422 = arith.index_cast %add3A_421 : i32 to index
        %get3A_423 = tpu.vector_load %arg6[%get3A_422] {strides = array<i32>} : memref<8672xf32, #tpu.memory_space<vmem>>, vector<16xf32>,
        %get3A_424 = vector.shape_cast %get3A_423 : vector<16xf32> to vector<16xf32>
        %max3A_425 = arith.maximumf %get3A_419, %get3A_424 : vector<16xf32>
        %swap3A_426 = arith.index_cast %mul3A_416 : i32 to index
        %swap3A_427 = tpu.vector_load %arg5[%swap3A_426] {strides = array<i32>} : memref<8672xf32, #tpu.memory_space<vmem>>, vector<16xf32>,
        %swap3A_428 = vector.shape_cast %swap3A_427 : vector<16xf32> to vector<16xf32>
        %swap3A_429 = vector.shape_cast %max3A_425 : vector<16xf32> to vector<16xf32>
        tpu.vector_store %arg5[%swap3A_426], %swap3A_429 {strides = array<i32>} : memref<8672xf32, #tpu.memory_space<vmem>>, vector<16xf32>,
      }
      %scan3A_85 = arith.constant 540 : i32
      %scan3A_86 = arith.constant 0 : i32
      %scan3A_87 = arith.constant 0 : i32
      %scan3A_88 = arith.constant 540 : i32
      %scan3A_89 = arith.addi %scan3A_87, %scan3A_88 : i32
      %scan3A_90 = arith.constant 4 : i32
      scf.for %scan3A_363 = %scan3A_87 to %scan3A_89 step %scan3A_90  : i32 {
        %mul3A_364 = arith.constant 16 : i32
        %mul3A_365 = arith.muli %mul3A_364, %scan3A_363 : i32
        %get3A_366 = arith.index_cast %mul3A_365 : i32 to index
        %get3A_367 = tpu.vector_load %arg5[%get3A_366] {strides = array<i32>} : memref<8672xf32, #tpu.memory_space<vmem>>, vector<16xf32>,
        %get3A_368 = vector.shape_cast %get3A_367 : vector<16xf32> to vector<16xf32>
        %add3A_369 = arith.constant 8 : i32
        %add3A_370 = arith.addi %mul3A_365, %add3A_369 : i32
        %get3A_371 = arith.index_cast %add3A_370 : i32 to index
        %get3A_372 = tpu.vector_load %arg5[%get3A_371] {strides = array<i32>} : memref<8672xf32, #tpu.memory_space<vmem>>, vector<16xf32>,
        %get3A_373 = vector.shape_cast %get3A_372 : vector<16xf32> to vector<16xf32>
        %max3A_374 = arith.maximumf %get3A_368, %get3A_373 : vector<16xf32>
        %swap3A_375 = arith.index_cast %mul3A_365 : i32 to index
        %swap3A_376 = tpu.vector_load %arg6[%swap3A_375] {strides = array<i32>} : memref<8672xf32, #tpu.memory_space<vmem>>, vector<16xf32>,
        %swap3A_377 = vector.shape_cast %swap3A_376 : vector<16xf32> to vector<16xf32>
        %swap3A_378 = vector.shape_cast %max3A_374 : vector<16xf32> to vector<16xf32>
        tpu.vector_store %arg6[%swap3A_375], %swap3A_378 {strides = array<i32>} : memref<8672xf32, #tpu.memory_space<vmem>>, vector<16xf32>,
        %scan3A_379 = arith.constant 1 : i32
        %scan3A_380 = arith.addi %scan3A_363, %scan3A_379 : i32
        %mul3A_381 = arith.constant 16 : i32
        %mul3A_382 = arith.muli %mul3A_381, %scan3A_380 : i32
        %get3A_383 = arith.index_cast %mul3A_382 : i32 to index
        %get3A_384 = tpu.vector_load %arg5[%get3A_383] {strides = array<i32>} : memref<8672xf32, #tpu.memory_space<vmem>>, vector<16xf32>,
        %get3A_385 = vector.shape_cast %get3A_384 : vector<16xf32> to vector<16xf32>
        %add3A_386 = arith.constant 8 : i32
        %add3A_387 = arith.addi %mul3A_382, %add3A_386 : i32
        %get3A_388 = arith.index_cast %add3A_387 : i32 to index
        %get3A_389 = tpu.vector_load %arg5[%get3A_388] {strides = array<i32>} : memref<8672xf32, #tpu.memory_space<vmem>>, vector<16xf32>,
        %get3A_390 = vector.shape_cast %get3A_389 : vector<16xf32> to vector<16xf32>
        %max3A_391 = arith.maximumf %get3A_385, %get3A_390 : vector<16xf32>
        %swap3A_392 = arith.index_cast %mul3A_382 : i32 to index
        %swap3A_393 = tpu.vector_load %arg6[%swap3A_392] {strides = array<i32>} : memref<8672xf32, #tpu.memory_space<vmem>>, vector<16xf32>,
        %swap3A_394 = vector.shape_cast %swap3A_393 : vector<16xf32> to vector<16xf32>
        %swap3A_395 = vector.shape_cast %max3A_391 : vector<16xf32> to vector<16xf32>
        tpu.vector_store %arg6[%swap3A_392], %swap3A_395 {strides = array<i32>} : memref<8672xf32, #tpu.memory_space<vmem>>, vector<16xf32>,
        %scan3A_396 = arith.constant 2 : i32
        %scan3A_397 = arith.addi %scan3A_363, %scan3A_396 : i32
        %mul3A_398 = arith.constant 16 : i32
        %mul3A_399 = arith.muli %mul3A_398, %scan3A_397 : i32
        %get3A_400 = arith.index_cast %mul3A_399 : i32 to index
        %get3A_401 = tpu.vector_load %arg5[%get3A_400] {strides = array<i32>} : memref<8672xf32, #tpu.memory_space<vmem>>, vector<16xf32>,
        %get3A_402 = vector.shape_cast %get3A_401 : vector<16xf32> to vector<16xf32>
        %add3A_403 = arith.constant 8 : i32
        %add3A_404 = arith.addi %mul3A_399, %add3A_403 : i32
        %get3A_405 = arith.index_cast %add3A_404 : i32 to index
        %get3A_406 = tpu.vector_load %arg5[%get3A_405] {strides = array<i32>} : memref<8672xf32, #tpu.memory_space<vmem>>, vector<16xf32>,
        %get3A_407 = vector.shape_cast %get3A_406 : vector<16xf32> to vector<16xf32>
        %max3A_408 = arith.maximumf %get3A_402, %get3A_407 : vector<16xf32>
        %swap3A_409 = arith.index_cast %mul3A_399 : i32 to index
        %swap3A_410 = tpu.vector_load %arg6[%swap3A_409] {strides = array<i32>} : memref<8672xf32, #tpu.memory_space<vmem>>, vector<16xf32>,
        %swap3A_411 = vector.shape_cast %swap3A_410 : vector<16xf32> to vector<16xf32>
        %swap3A_412 = vector.shape_cast %max3A_408 : vector<16xf32> to vector<16xf32>
        tpu.vector_store %arg6[%swap3A_409], %swap3A_412 {strides = array<i32>} : memref<8672xf32, #tpu.memory_space<vmem>>, vector<16xf32>,
        %scan3A_413 = arith.constant 3 : i32
        %scan3A_414 = arith.addi %scan3A_363, %scan3A_413 : i32
        %mul3A_415 = arith.constant 16 : i32
        %mul3A_416 = arith.muli %mul3A_415, %scan3A_414 : i32
        %get3A_417 = arith.index_cast %mul3A_416 : i32 to index
        %get3A_418 = tpu.vector_load %arg5[%get3A_417] {strides = array<i32>} : memref<8672xf32, #tpu.memory_space<vmem>>, vector<16xf32>,
        %get3A_419 = vector.shape_cast %get3A_418 : vector<16xf32> to vector<16xf32>
        %add3A_420 = arith.constant 8 : i32
        %add3A_421 = arith.addi %mul3A_416, %add3A_420 : i32
        %get3A_422 = arith.index_cast %add3A_421 : i32 to index
        %get3A_423 = tpu.vector_load %arg5[%get3A_422] {strides = array<i32>} : memref<8672xf32, #tpu.memory_space<vmem>>, vector<16xf32>,
        %get3A_424 = vector.shape_cast %get3A_423 : vector<16xf32> to vector<16xf32>
        %max3A_425 = arith.maximumf %get3A_419, %get3A_424 : vector<16xf32>
        %swap3A_426 = arith.index_cast %mul3A_416 : i32 to index
        %swap3A_427 = tpu.vector_load %arg6[%swap3A_426] {strides = array<i32>} : memref<8672xf32, #tpu.memory_space<vmem>>, vector<16xf32>,
        %swap3A_428 = vector.shape_cast %swap3A_427 : vector<16xf32> to vector<16xf32>
        %swap3A_429 = vector.shape_cast %max3A_425 : vector<16xf32> to vector<16xf32>
        tpu.vector_store %arg6[%swap3A_426], %swap3A_429 {strides = array<i32>} : memref<8672xf32, #tpu.memory_space<vmem>>, vector<16xf32>,
      }
      %scan3A_91 = arith.constant 540 : i32
      %scan3A_92 = arith.constant 0 : i32
      %scan3A_93 = arith.constant 0 : i32
      %scan3A_94 = arith.constant 536 : i32
      %scan3A_95 = arith.addi %scan3A_93, %scan3A_94 : i32
      %scan3A_96 = arith.constant 4 : i32
      scf.for %scan3A_363 = %scan3A_93 to %scan3A_95 step %scan3A_96  : i32 {
        %mul3A_364 = arith.constant 16 : i32
        %mul3A_365 = arith.muli %mul3A_364, %scan3A_363 : i32
        %get3A_366 = arith.index_cast %mul3A_365 : i32 to index
        %get3A_367 = tpu.vector_load %arg6[%get3A_366] {strides = array<i32>} : memref<8672xf32, #tpu.memory_space<vmem>>, vector<16xf32>,
        %get3A_368 = vector.shape_cast %get3A_367 : vector<16xf32> to vector<16xf32>
        %add3A_369 = arith.constant 16 : i32
        %add3A_370 = arith.addi %mul3A_365, %add3A_369 : i32
        %get3A_371 = arith.index_cast %add3A_370 : i32 to index
        %get3A_372 = tpu.vector_load %arg6[%get3A_371] {strides = array<i32>} : memref<8672xf32, #tpu.memory_space<vmem>>, vector<16xf32>,
        %get3A_373 = vector.shape_cast %get3A_372 : vector<16xf32> to vector<16xf32>
        %max3A_374 = arith.maximumf %get3A_368, %get3A_373 : vector<16xf32>
        %swap3A_375 = arith.index_cast %mul3A_365 : i32 to index
        %swap3A_376 = tpu.vector_load %arg5[%swap3A_375] {strides = array<i32>} : memref<8672xf32, #tpu.memory_space<vmem>>, vector<16xf32>,
        %swap3A_377 = vector.shape_cast %swap3A_376 : vector<16xf32> to vector<16xf32>
        %swap3A_378 = vector.shape_cast %max3A_374 : vector<16xf32> to vector<16xf32>
        tpu.vector_store %arg5[%swap3A_375], %swap3A_378 {strides = array<i32>} : memref<8672xf32, #tpu.memory_space<vmem>>, vector<16xf32>,
        %scan3A_379 = arith.constant 1 : i32
        %scan3A_380 = arith.addi %scan3A_363, %scan3A_379 : i32
        %mul3A_381 = arith.constant 16 : i32
        %mul3A_382 = arith.muli %mul3A_381, %scan3A_380 : i32
        %get3A_383 = arith.index_cast %mul3A_382 : i32 to index
        %get3A_384 = tpu.vector_load %arg6[%get3A_383] {strides = array<i32>} : memref<8672xf32, #tpu.memory_space<vmem>>, vector<16xf32>,
        %get3A_385 = vector.shape_cast %get3A_384 : vector<16xf32> to vector<16xf32>
        %add3A_386 = arith.constant 16 : i32
        %add3A_387 = arith.addi %mul3A_382, %add3A_386 : i32
        %get3A_388 = arith.index_cast %add3A_387 : i32 to index
        %get3A_389 = tpu.vector_load %arg6[%get3A_388] {strides = array<i32>} : memref<8672xf32, #tpu.memory_space<vmem>>, vector<16xf32>,
        %get3A_390 = vector.shape_cast %get3A_389 : vector<16xf32> to vector<16xf32>
        %max3A_391 = arith.maximumf %get3A_385, %get3A_390 : vector<16xf32>
        %swap3A_392 = arith.index_cast %mul3A_382 : i32 to index
        %swap3A_393 = tpu.vector_load %arg5[%swap3A_392] {strides = array<i32>} : memref<8672xf32, #tpu.memory_space<vmem>>, vector<16xf32>,
        %swap3A_394 = vector.shape_cast %swap3A_393 : vector<16xf32> to vector<16xf32>
        %swap3A_395 = vector.shape_cast %max3A_391 : vector<16xf32> to vector<16xf32>
        tpu.vector_store %arg5[%swap3A_392], %swap3A_395 {strides = array<i32>} : memref<8672xf32, #tpu.memory_space<vmem>>, vector<16xf32>,
        %scan3A_396 = arith.constant 2 : i32
        %scan3A_397 = arith.addi %scan3A_363, %scan3A_396 : i32
        %mul3A_398 = arith.constant 16 : i32
        %mul3A_399 = arith.muli %mul3A_398, %scan3A_397 : i32
        %get3A_400 = arith.index_cast %mul3A_399 : i32 to index
        %get3A_401 = tpu.vector_load %arg6[%get3A_400] {strides = array<i32>} : memref<8672xf32, #tpu.memory_space<vmem>>, vector<16xf32>,
        %get3A_402 = vector.shape_cast %get3A_401 : vector<16xf32> to vector<16xf32>
        %add3A_403 = arith.constant 16 : i32
        %add3A_404 = arith.addi %mul3A_399, %add3A_403 : i32
        %get3A_405 = arith.index_cast %add3A_404 : i32 to index
        %get3A_406 = tpu.vector_load %arg6[%get3A_405] {strides = array<i32>} : memref<8672xf32, #tpu.memory_space<vmem>>, vector<16xf32>,
        %get3A_407 = vector.shape_cast %get3A_406 : vector<16xf32> to vector<16xf32>
        %max3A_408 = arith.maximumf %get3A_402, %get3A_407 : vector<16xf32>
        %swap3A_409 = arith.index_cast %mul3A_399 : i32 to index
        %swap3A_410 = tpu.vector_load %arg5[%swap3A_409] {strides = array<i32>} : memref<8672xf32, #tpu.memory_space<vmem>>, vector<16xf32>,
        %swap3A_411 = vector.shape_cast %swap3A_410 : vector<16xf32> to vector<16xf32>
        %swap3A_412 = vector.shape_cast %max3A_408 : vector<16xf32> to vector<16xf32>
        tpu.vector_store %arg5[%swap3A_409], %swap3A_412 {strides = array<i32>} : memref<8672xf32, #tpu.memory_space<vmem>>, vector<16xf32>,
        %scan3A_413 = arith.constant 3 : i32
        %scan3A_414 = arith.addi %scan3A_363, %scan3A_413 : i32
        %mul3A_415 = arith.constant 16 : i32
        %mul3A_416 = arith.muli %mul3A_415, %scan3A_414 : i32
        %get3A_417 = arith.index_cast %mul3A_416 : i32 to index
        %get3A_418 = tpu.vector_load %arg6[%get3A_417] {strides = array<i32>} : memref<8672xf32, #tpu.memory_space<vmem>>, vector<16xf32>,
        %get3A_419 = vector.shape_cast %get3A_418 : vector<16xf32> to vector<16xf32>
        %add3A_420 = arith.constant 16 : i32
        %add3A_421 = arith.addi %mul3A_416, %add3A_420 : i32
        %get3A_422 = arith.index_cast %add3A_421 : i32 to index
        %get3A_423 = tpu.vector_load %arg6[%get3A_422] {strides = array<i32>} : memref<8672xf32, #tpu.memory_space<vmem>>, vector<16xf32>,
        %get3A_424 = vector.shape_cast %get3A_423 : vector<16xf32> to vector<16xf32>
        %max3A_425 = arith.maximumf %get3A_419, %get3A_424 : vector<16xf32>
        %swap3A_426 = arith.index_cast %mul3A_416 : i32 to index
        %swap3A_427 = tpu.vector_load %arg5[%swap3A_426] {strides = array<i32>} : memref<8672xf32, #tpu.memory_space<vmem>>, vector<16xf32>,
        %swap3A_428 = vector.shape_cast %swap3A_427 : vector<16xf32> to vector<16xf32>
        %swap3A_429 = vector.shape_cast %max3A_425 : vector<16xf32> to vector<16xf32>
        tpu.vector_store %arg5[%swap3A_426], %swap3A_429 {strides = array<i32>} : memref<8672xf32, #tpu.memory_space<vmem>>, vector<16xf32>,
      }
      %scan3A_97 = arith.constant 536 : i32
      %scan3A_98 = arith.addi %scan3A_93, %scan3A_97 : i32
      %mul3A_99 = arith.constant 16 : i32
      %mul3A_100 = arith.muli %mul3A_99, %scan3A_98 : i32
      %get3A_101 = arith.index_cast %mul3A_100 : i32 to index
      %get3A_102 = tpu.vector_load %arg6[%get3A_101] {strides = array<i32>} : memref<8672xf32, #tpu.memory_space<vmem>>, vector<16xf32>,
      %get3A_103 = vector.shape_cast %get3A_102 : vector<16xf32> to vector<16xf32>
      %add3A_104 = arith.constant 16 : i32
      %add3A_105 = arith.addi %mul3A_100, %add3A_104 : i32
      %get3A_106 = arith.index_cast %add3A_105 : i32 to index
      %get3A_107 = tpu.vector_load %arg6[%get3A_106] {strides = array<i32>} : memref<8672xf32, #tpu.memory_space<vmem>>, vector<16xf32>,
      %get3A_108 = vector.shape_cast %get3A_107 : vector<16xf32> to vector<16xf32>
      %max3A_109 = arith.maximumf %get3A_103, %get3A_108 : vector<16xf32>
      %swap3A_110 = arith.index_cast %mul3A_100 : i32 to index
      %swap3A_111 = tpu.vector_load %arg5[%swap3A_110] {strides = array<i32>} : memref<8672xf32, #tpu.memory_space<vmem>>, vector<16xf32>,
      %swap3A_112 = vector.shape_cast %swap3A_111 : vector<16xf32> to vector<16xf32>
      %swap3A_113 = vector.shape_cast %max3A_109 : vector<16xf32> to vector<16xf32>
      tpu.vector_store %arg5[%swap3A_110], %swap3A_113 {strides = array<i32>} : memref<8672xf32, #tpu.memory_space<vmem>>, vector<16xf32>,
      %scan3A_114 = arith.constant 537 : i32
      %scan3A_115 = arith.addi %scan3A_93, %scan3A_114 : i32
      %mul3A_116 = arith.constant 16 : i32
      %mul3A_117 = arith.muli %mul3A_116, %scan3A_115 : i32
      %get3A_118 = arith.index_cast %mul3A_117 : i32 to index
      %get3A_119 = tpu.vector_load %arg6[%get3A_118] {strides = array<i32>} : memref<8672xf32, #tpu.memory_space<vmem>>, vector<16xf32>,
      %get3A_120 = vector.shape_cast %get3A_119 : vector<16xf32> to vector<16xf32>
      %add3A_121 = arith.constant 16 : i32
      %add3A_122 = arith.addi %mul3A_117, %add3A_121 : i32
      %get3A_123 = arith.index_cast %add3A_122 : i32 to index
      %get3A_124 = tpu.vector_load %arg6[%get3A_123] {strides = array<i32>} : memref<8672xf32, #tpu.memory_space<vmem>>, vector<16xf32>,
      %get3A_125 = vector.shape_cast %get3A_124 : vector<16xf32> to vector<16xf32>
      %max3A_126 = arith.maximumf %get3A_120, %get3A_125 : vector<16xf32>
      %swap3A_127 = arith.index_cast %mul3A_117 : i32 to index
      %swap3A_128 = tpu.vector_load %arg5[%swap3A_127] {strides = array<i32>} : memref<8672xf32, #tpu.memory_space<vmem>>, vector<16xf32>,
      %swap3A_129 = vector.shape_cast %swap3A_128 : vector<16xf32> to vector<16xf32>
      %swap3A_130 = vector.shape_cast %max3A_126 : vector<16xf32> to vector<16xf32>
      tpu.vector_store %arg5[%swap3A_127], %swap3A_130 {strides = array<i32>} : memref<8672xf32, #tpu.memory_space<vmem>>, vector<16xf32>,
      %scan3A_131 = arith.constant 538 : i32
      %scan3A_132 = arith.addi %scan3A_93, %scan3A_131 : i32
      %mul3A_133 = arith.constant 16 : i32
      %mul3A_134 = arith.muli %mul3A_133, %scan3A_132 : i32
      %get3A_135 = arith.index_cast %mul3A_134 : i32 to index
      %get3A_136 = tpu.vector_load %arg6[%get3A_135] {strides = array<i32>} : memref<8672xf32, #tpu.memory_space<vmem>>, vector<16xf32>,
      %get3A_137 = vector.shape_cast %get3A_136 : vector<16xf32> to vector<16xf32>
      %add3A_138 = arith.constant 16 : i32
      %add3A_139 = arith.addi %mul3A_134, %add3A_138 : i32
      %get3A_140 = arith.index_cast %add3A_139 : i32 to index
      %get3A_141 = tpu.vector_load %arg6[%get3A_140] {strides = array<i32>} : memref<8672xf32, #tpu.memory_space<vmem>>, vector<16xf32>,
      %get3A_142 = vector.shape_cast %get3A_141 : vector<16xf32> to vector<16xf32>
      %max3A_143 = arith.maximumf %get3A_137, %get3A_142 : vector<16xf32>
      %swap3A_144 = arith.index_cast %mul3A_134 : i32 to index
      %swap3A_145 = tpu.vector_load %arg5[%swap3A_144] {strides = array<i32>} : memref<8672xf32, #tpu.memory_space<vmem>>, vector<16xf32>,
      %swap3A_146 = vector.shape_cast %swap3A_145 : vector<16xf32> to vector<16xf32>
      %swap3A_147 = vector.shape_cast %max3A_143 : vector<16xf32> to vector<16xf32>
      tpu.vector_store %arg5[%swap3A_144], %swap3A_147 {strides = array<i32>} : memref<8672xf32, #tpu.memory_space<vmem>>, vector<16xf32>,
      %scan3A_148 = arith.constant 539 : i32
      %scan3A_149 = arith.constant 0 : i32
      %scan3A_150 = arith.constant 0 : i32
      %scan3A_151 = arith.constant 536 : i32
      %scan3A_152 = arith.addi %scan3A_150, %scan3A_151 : i32
      %scan3A_153 = arith.constant 4 : i32
      scf.for %scan3A_363 = %scan3A_150 to %scan3A_152 step %scan3A_153  : i32 {
        %mul3A_364 = arith.constant 16 : i32
        %mul3A_365 = arith.muli %mul3A_364, %scan3A_363 : i32
        %get3A_366 = arith.index_cast %mul3A_365 : i32 to index
        %get3A_367 = tpu.vector_load %arg5[%get3A_366] {strides = array<i32>} : memref<8672xf32, #tpu.memory_space<vmem>>, vector<16xf32>,
        %get3A_368 = vector.shape_cast %get3A_367 : vector<16xf32> to vector<16xf32>
        %add3A_369 = arith.constant 32 : i32
        %add3A_370 = arith.addi %mul3A_365, %add3A_369 : i32
        %get3A_371 = arith.index_cast %add3A_370 : i32 to index
        %get3A_372 = tpu.vector_load %arg5[%get3A_371] {strides = array<i32>} : memref<8672xf32, #tpu.memory_space<vmem>>, vector<16xf32>,
        %get3A_373 = vector.shape_cast %get3A_372 : vector<16xf32> to vector<16xf32>
        %max3A_374 = arith.maximumf %get3A_368, %get3A_373 : vector<16xf32>
        %swap3A_375 = arith.index_cast %mul3A_365 : i32 to index
        %swap3A_376 = tpu.vector_load %arg6[%swap3A_375] {strides = array<i32>} : memref<8672xf32, #tpu.memory_space<vmem>>, vector<16xf32>,
        %swap3A_377 = vector.shape_cast %swap3A_376 : vector<16xf32> to vector<16xf32>
        %swap3A_378 = vector.shape_cast %max3A_374 : vector<16xf32> to vector<16xf32>
        tpu.vector_store %arg6[%swap3A_375], %swap3A_378 {strides = array<i32>} : memref<8672xf32, #tpu.memory_space<vmem>>, vector<16xf32>,
        %scan3A_379 = arith.constant 1 : i32
        %scan3A_380 = arith.addi %scan3A_363, %scan3A_379 : i32
        %mul3A_381 = arith.constant 16 : i32
        %mul3A_382 = arith.muli %mul3A_381, %scan3A_380 : i32
        %get3A_383 = arith.index_cast %mul3A_382 : i32 to index
        %get3A_384 = tpu.vector_load %arg5[%get3A_383] {strides = array<i32>} : memref<8672xf32, #tpu.memory_space<vmem>>, vector<16xf32>,
        %get3A_385 = vector.shape_cast %get3A_384 : vector<16xf32> to vector<16xf32>
        %add3A_386 = arith.constant 32 : i32
        %add3A_387 = arith.addi %mul3A_382, %add3A_386 : i32
        %get3A_388 = arith.index_cast %add3A_387 : i32 to index
        %get3A_389 = tpu.vector_load %arg5[%get3A_388] {strides = array<i32>} : memref<8672xf32, #tpu.memory_space<vmem>>, vector<16xf32>,
        %get3A_390 = vector.shape_cast %get3A_389 : vector<16xf32> to vector<16xf32>
        %max3A_391 = arith.maximumf %get3A_385, %get3A_390 : vector<16xf32>
        %swap3A_392 = arith.index_cast %mul3A_382 : i32 to index
        %swap3A_393 = tpu.vector_load %arg6[%swap3A_392] {strides = array<i32>} : memref<8672xf32, #tpu.memory_space<vmem>>, vector<16xf32>,
        %swap3A_394 = vector.shape_cast %swap3A_393 : vector<16xf32> to vector<16xf32>
        %swap3A_395 = vector.shape_cast %max3A_391 : vector<16xf32> to vector<16xf32>
        tpu.vector_store %arg6[%swap3A_392], %swap3A_395 {strides = array<i32>} : memref<8672xf32, #tpu.memory_space<vmem>>, vector<16xf32>,
        %scan3A_396 = arith.constant 2 : i32
        %scan3A_397 = arith.addi %scan3A_363, %scan3A_396 : i32
        %mul3A_398 = arith.constant 16 : i32
        %mul3A_399 = arith.muli %mul3A_398, %scan3A_397 : i32
        %get3A_400 = arith.index_cast %mul3A_399 : i32 to index
        %get3A_401 = tpu.vector_load %arg5[%get3A_400] {strides = array<i32>} : memref<8672xf32, #tpu.memory_space<vmem>>, vector<16xf32>,
        %get3A_402 = vector.shape_cast %get3A_401 : vector<16xf32> to vector<16xf32>
        %add3A_403 = arith.constant 32 : i32
        %add3A_404 = arith.addi %mul3A_399, %add3A_403 : i32
        %get3A_405 = arith.index_cast %add3A_404 : i32 to index
        %get3A_406 = tpu.vector_load %arg5[%get3A_405] {strides = array<i32>} : memref<8672xf32, #tpu.memory_space<vmem>>, vector<16xf32>,
        %get3A_407 = vector.shape_cast %get3A_406 : vector<16xf32> to vector<16xf32>
        %max3A_408 = arith.maximumf %get3A_402, %get3A_407 : vector<16xf32>
        %swap3A_409 = arith.index_cast %mul3A_399 : i32 to index
        %swap3A_410 = tpu.vector_load %arg6[%swap3A_409] {strides = array<i32>} : memref<8672xf32, #tpu.memory_space<vmem>>, vector<16xf32>,
        %swap3A_411 = vector.shape_cast %swap3A_410 : vector<16xf32> to vector<16xf32>
        %swap3A_412 = vector.shape_cast %max3A_408 : vector<16xf32> to vector<16xf32>
        tpu.vector_store %arg6[%swap3A_409], %swap3A_412 {strides = array<i32>} : memref<8672xf32, #tpu.memory_space<vmem>>, vector<16xf32>,
        %scan3A_413 = arith.constant 3 : i32
        %scan3A_414 = arith.addi %scan3A_363, %scan3A_413 : i32
        %mul3A_415 = arith.constant 16 : i32
        %mul3A_416 = arith.muli %mul3A_415, %scan3A_414 : i32
        %get3A_417 = arith.index_cast %mul3A_416 : i32 to index
        %get3A_418 = tpu.vector_load %arg5[%get3A_417] {strides = array<i32>} : memref<8672xf32, #tpu.memory_space<vmem>>, vector<16xf32>,
        %get3A_419 = vector.shape_cast %get3A_418 : vector<16xf32> to vector<16xf32>
        %add3A_420 = arith.constant 32 : i32
        %add3A_421 = arith.addi %mul3A_416, %add3A_420 : i32
        %get3A_422 = arith.index_cast %add3A_421 : i32 to index
        %get3A_423 = tpu.vector_load %arg5[%get3A_422] {strides = array<i32>} : memref<8672xf32, #tpu.memory_space<vmem>>, vector<16xf32>,
        %get3A_424 = vector.shape_cast %get3A_423 : vector<16xf32> to vector<16xf32>
        %max3A_425 = arith.maximumf %get3A_419, %get3A_424 : vector<16xf32>
        %swap3A_426 = arith.index_cast %mul3A_416 : i32 to index
        %swap3A_427 = tpu.vector_load %arg6[%swap3A_426] {strides = array<i32>} : memref<8672xf32, #tpu.memory_space<vmem>>, vector<16xf32>,
        %swap3A_428 = vector.shape_cast %swap3A_427 : vector<16xf32> to vector<16xf32>
        %swap3A_429 = vector.shape_cast %max3A_425 : vector<16xf32> to vector<16xf32>
        tpu.vector_store %arg6[%swap3A_426], %swap3A_429 {strides = array<i32>} : memref<8672xf32, #tpu.memory_space<vmem>>, vector<16xf32>,
      }
      %scan3A_154 = arith.constant 536 : i32
      %scan3A_155 = arith.addi %scan3A_150, %scan3A_154 : i32
      %mul3A_156 = arith.constant 16 : i32
      %mul3A_157 = arith.muli %mul3A_156, %scan3A_155 : i32
      %get3A_158 = arith.index_cast %mul3A_157 : i32 to index
      %get3A_159 = tpu.vector_load %arg5[%get3A_158] {strides = array<i32>} : memref<8672xf32, #tpu.memory_space<vmem>>, vector<16xf32>,
      %get3A_160 = vector.shape_cast %get3A_159 : vector<16xf32> to vector<16xf32>
      %add3A_161 = arith.constant 32 : i32
      %add3A_162 = arith.addi %mul3A_157, %add3A_161 : i32
      %get3A_163 = arith.index_cast %add3A_162 : i32 to index
      %get3A_164 = tpu.vector_load %arg5[%get3A_163] {strides = array<i32>} : memref<8672xf32, #tpu.memory_space<vmem>>, vector<16xf32>,
      %get3A_165 = vector.shape_cast %get3A_164 : vector<16xf32> to vector<16xf32>
      %max3A_166 = arith.maximumf %get3A_160, %get3A_165 : vector<16xf32>
      %swap3A_167 = arith.index_cast %mul3A_157 : i32 to index
      %swap3A_168 = tpu.vector_load %arg6[%swap3A_167] {strides = array<i32>} : memref<8672xf32, #tpu.memory_space<vmem>>, vector<16xf32>,
      %swap3A_169 = vector.shape_cast %swap3A_168 : vector<16xf32> to vector<16xf32>
      %swap3A_170 = vector.shape_cast %max3A_166 : vector<16xf32> to vector<16xf32>
      tpu.vector_store %arg6[%swap3A_167], %swap3A_170 {strides = array<i32>} : memref<8672xf32, #tpu.memory_space<vmem>>, vector<16xf32>,
      %scan3A_171 = arith.constant 537 : i32
      %scan3A_172 = arith.constant 0 : i32
      %scan3A_173 = arith.constant 0 : i32
      %scan3A_174 = arith.constant 532 : i32
      %scan3A_175 = arith.addi %scan3A_173, %scan3A_174 : i32
      %scan3A_176 = arith.constant 4 : i32
      scf.for %scan3A_363 = %scan3A_173 to %scan3A_175 step %scan3A_176  : i32 {
        %mul3A_364 = arith.constant 16 : i32
        %mul3A_365 = arith.muli %mul3A_364, %scan3A_363 : i32
        %get3A_366 = arith.index_cast %mul3A_365 : i32 to index
        %get3A_367 = tpu.vector_load %arg6[%get3A_366] {strides = array<i32>} : memref<8672xf32, #tpu.memory_space<vmem>>, vector<16xf32>,
        %get3A_368 = vector.shape_cast %get3A_367 : vector<16xf32> to vector<16xf32>
        %add3A_369 = arith.constant 64 : i32
        %add3A_370 = arith.addi %mul3A_365, %add3A_369 : i32
        %get3A_371 = arith.index_cast %add3A_370 : i32 to index
        %get3A_372 = tpu.vector_load %arg6[%get3A_371] {strides = array<i32>} : memref<8672xf32, #tpu.memory_space<vmem>>, vector<16xf32>,
        %get3A_373 = vector.shape_cast %get3A_372 : vector<16xf32> to vector<16xf32>
        %max3A_374 = arith.maximumf %get3A_368, %get3A_373 : vector<16xf32>
        %swap3A_375 = arith.index_cast %mul3A_365 : i32 to index
        %swap3A_376 = tpu.vector_load %arg5[%swap3A_375] {strides = array<i32>} : memref<8672xf32, #tpu.memory_space<vmem>>, vector<16xf32>,
        %swap3A_377 = vector.shape_cast %swap3A_376 : vector<16xf32> to vector<16xf32>
        %swap3A_378 = vector.shape_cast %max3A_374 : vector<16xf32> to vector<16xf32>
        tpu.vector_store %arg5[%swap3A_375], %swap3A_378 {strides = array<i32>} : memref<8672xf32, #tpu.memory_space<vmem>>, vector<16xf32>,
        %scan3A_379 = arith.constant 1 : i32
        %scan3A_380 = arith.addi %scan3A_363, %scan3A_379 : i32
        %mul3A_381 = arith.constant 16 : i32
        %mul3A_382 = arith.muli %mul3A_381, %scan3A_380 : i32
        %get3A_383 = arith.index_cast %mul3A_382 : i32 to index
        %get3A_384 = tpu.vector_load %arg6[%get3A_383] {strides = array<i32>} : memref<8672xf32, #tpu.memory_space<vmem>>, vector<16xf32>,
        %get3A_385 = vector.shape_cast %get3A_384 : vector<16xf32> to vector<16xf32>
        %add3A_386 = arith.constant 64 : i32
        %add3A_387 = arith.addi %mul3A_382, %add3A_386 : i32
        %get3A_388 = arith.index_cast %add3A_387 : i32 to index
        %get3A_389 = tpu.vector_load %arg6[%get3A_388] {strides = array<i32>} : memref<8672xf32, #tpu.memory_space<vmem>>, vector<16xf32>,
        %get3A_390 = vector.shape_cast %get3A_389 : vector<16xf32> to vector<16xf32>
        %max3A_391 = arith.maximumf %get3A_385, %get3A_390 : vector<16xf32>
        %swap3A_392 = arith.index_cast %mul3A_382 : i32 to index
        %swap3A_393 = tpu.vector_load %arg5[%swap3A_392] {strides = array<i32>} : memref<8672xf32, #tpu.memory_space<vmem>>, vector<16xf32>,
        %swap3A_394 = vector.shape_cast %swap3A_393 : vector<16xf32> to vector<16xf32>
        %swap3A_395 = vector.shape_cast %max3A_391 : vector<16xf32> to vector<16xf32>
        tpu.vector_store %arg5[%swap3A_392], %swap3A_395 {strides = array<i32>} : memref<8672xf32, #tpu.memory_space<vmem>>, vector<16xf32>,
        %scan3A_396 = arith.constant 2 : i32
        %scan3A_397 = arith.addi %scan3A_363, %scan3A_396 : i32
        %mul3A_398 = arith.constant 16 : i32
        %mul3A_399 = arith.muli %mul3A_398, %scan3A_397 : i32
        %get3A_400 = arith.index_cast %mul3A_399 : i32 to index
        %get3A_401 = tpu.vector_load %arg6[%get3A_400] {strides = array<i32>} : memref<8672xf32, #tpu.memory_space<vmem>>, vector<16xf32>,
        %get3A_402 = vector.shape_cast %get3A_401 : vector<16xf32> to vector<16xf32>
        %add3A_403 = arith.constant 64 : i32
        %add3A_404 = arith.addi %mul3A_399, %add3A_403 : i32
        %get3A_405 = arith.index_cast %add3A_404 : i32 to index
        %get3A_406 = tpu.vector_load %arg6[%get3A_405] {strides = array<i32>} : memref<8672xf32, #tpu.memory_space<vmem>>, vector<16xf32>,
        %get3A_407 = vector.shape_cast %get3A_406 : vector<16xf32> to vector<16xf32>
        %max3A_408 = arith.maximumf %get3A_402, %get3A_407 : vector<16xf32>
        %swap3A_409 = arith.index_cast %mul3A_399 : i32 to index
        %swap3A_410 = tpu.vector_load %arg5[%swap3A_409] {strides = array<i32>} : memref<8672xf32, #tpu.memory_space<vmem>>, vector<16xf32>,
        %swap3A_411 = vector.shape_cast %swap3A_410 : vector<16xf32> to vector<16xf32>
        %swap3A_412 = vector.shape_cast %max3A_408 : vector<16xf32> to vector<16xf32>
        tpu.vector_store %arg5[%swap3A_409], %swap3A_412 {strides = array<i32>} : memref<8672xf32, #tpu.memory_space<vmem>>, vector<16xf32>,
        %scan3A_413 = arith.constant 3 : i32
        %scan3A_414 = arith.addi %scan3A_363, %scan3A_413 : i32
        %mul3A_415 = arith.constant 16 : i32
        %mul3A_416 = arith.muli %mul3A_415, %scan3A_414 : i32
        %get3A_417 = arith.index_cast %mul3A_416 : i32 to index
        %get3A_418 = tpu.vector_load %arg6[%get3A_417] {strides = array<i32>} : memref<8672xf32, #tpu.memory_space<vmem>>, vector<16xf32>,
        %get3A_419 = vector.shape_cast %get3A_418 : vector<16xf32> to vector<16xf32>
        %add3A_420 = arith.constant 64 : i32
        %add3A_421 = arith.addi %mul3A_416, %add3A_420 : i32
        %get3A_422 = arith.index_cast %add3A_421 : i32 to index
        %get3A_423 = tpu.vector_load %arg6[%get3A_422] {strides = array<i32>} : memref<8672xf32, #tpu.memory_space<vmem>>, vector<16xf32>,
        %get3A_424 = vector.shape_cast %get3A_423 : vector<16xf32> to vector<16xf32>
        %max3A_425 = arith.maximumf %get3A_419, %get3A_424 : vector<16xf32>
        %swap3A_426 = arith.index_cast %mul3A_416 : i32 to index
        %swap3A_427 = tpu.vector_load %arg5[%swap3A_426] {strides = array<i32>} : memref<8672xf32, #tpu.memory_space<vmem>>, vector<16xf32>,
        %swap3A_428 = vector.shape_cast %swap3A_427 : vector<16xf32> to vector<16xf32>
        %swap3A_429 = vector.shape_cast %max3A_425 : vector<16xf32> to vector<16xf32>
        tpu.vector_store %arg5[%swap3A_426], %swap3A_429 {strides = array<i32>} : memref<8672xf32, #tpu.memory_space<vmem>>, vector<16xf32>,
      }
      %scan3A_177 = arith.constant 532 : i32
      %scan3A_178 = arith.addi %scan3A_173, %scan3A_177 : i32
      %mul3A_179 = arith.constant 16 : i32
      %mul3A_180 = arith.muli %mul3A_179, %scan3A_178 : i32
      %get3A_181 = arith.index_cast %mul3A_180 : i32 to index
      %get3A_182 = tpu.vector_load %arg6[%get3A_181] {strides = array<i32>} : memref<8672xf32, #tpu.memory_space<vmem>>, vector<16xf32>,
      %get3A_183 = vector.shape_cast %get3A_182 : vector<16xf32> to vector<16xf32>
      %add3A_184 = arith.constant 64 : i32
      %add3A_185 = arith.addi %mul3A_180, %add3A_184 : i32
      %get3A_186 = arith.index_cast %add3A_185 : i32 to index
      %get3A_187 = tpu.vector_load %arg6[%get3A_186] {strides = array<i32>} : memref<8672xf32, #tpu.memory_space<vmem>>, vector<16xf32>,
      %get3A_188 = vector.shape_cast %get3A_187 : vector<16xf32> to vector<16xf32>
      %max3A_189 = arith.maximumf %get3A_183, %get3A_188 : vector<16xf32>
      %swap3A_190 = arith.index_cast %mul3A_180 : i32 to index
      %swap3A_191 = tpu.vector_load %arg5[%swap3A_190] {strides = array<i32>} : memref<8672xf32, #tpu.memory_space<vmem>>, vector<16xf32>,
      %swap3A_192 = vector.shape_cast %swap3A_191 : vector<16xf32> to vector<16xf32>
      %swap3A_193 = vector.shape_cast %max3A_189 : vector<16xf32> to vector<16xf32>
      tpu.vector_store %arg5[%swap3A_190], %swap3A_193 {strides = array<i32>} : memref<8672xf32, #tpu.memory_space<vmem>>, vector<16xf32>,
      %scan3A_194 = arith.constant 533 : i32
      %scan3A_195 = arith.constant 0 : i32
      %scan3A_196 = arith.constant 0 : i32
      %scan3A_197 = arith.constant 524 : i32
      %scan3A_198 = arith.addi %scan3A_196, %scan3A_197 : i32
      %scan3A_199 = arith.constant 4 : i32
      scf.for %scan3A_363 = %scan3A_196 to %scan3A_198 step %scan3A_199  : i32 {
        %mul3A_364 = arith.constant 16 : i32
        %mul3A_365 = arith.muli %mul3A_364, %scan3A_363 : i32
        %get3A_366 = arith.index_cast %mul3A_365 : i32 to index
        %get3A_367 = tpu.vector_load %arg5[%get3A_366] {strides = array<i32>} : memref<8672xf32, #tpu.memory_space<vmem>>, vector<16xf32>,
        %get3A_368 = vector.shape_cast %get3A_367 : vector<16xf32> to vector<16xf32>
        %add3A_369 = arith.constant 128 : i32
        %add3A_370 = arith.addi %mul3A_365, %add3A_369 : i32
        %get3A_371 = arith.index_cast %add3A_370 : i32 to index
        %get3A_372 = tpu.vector_load %arg5[%get3A_371] {strides = array<i32>} : memref<8672xf32, #tpu.memory_space<vmem>>, vector<16xf32>,
        %get3A_373 = vector.shape_cast %get3A_372 : vector<16xf32> to vector<16xf32>
        %max3A_374 = arith.maximumf %get3A_368, %get3A_373 : vector<16xf32>
        %swap3A_375 = arith.index_cast %mul3A_365 : i32 to index
        %swap3A_376 = tpu.vector_load %arg6[%swap3A_375] {strides = array<i32>} : memref<8672xf32, #tpu.memory_space<vmem>>, vector<16xf32>,
        %swap3A_377 = vector.shape_cast %swap3A_376 : vector<16xf32> to vector<16xf32>
        %swap3A_378 = vector.shape_cast %max3A_374 : vector<16xf32> to vector<16xf32>
        tpu.vector_store %arg6[%swap3A_375], %swap3A_378 {strides = array<i32>} : memref<8672xf32, #tpu.memory_space<vmem>>, vector<16xf32>,
        %scan3A_379 = arith.constant 1 : i32
        %scan3A_380 = arith.addi %scan3A_363, %scan3A_379 : i32
        %mul3A_381 = arith.constant 16 : i32
        %mul3A_382 = arith.muli %mul3A_381, %scan3A_380 : i32
        %get3A_383 = arith.index_cast %mul3A_382 : i32 to index
        %get3A_384 = tpu.vector_load %arg5[%get3A_383] {strides = array<i32>} : memref<8672xf32, #tpu.memory_space<vmem>>, vector<16xf32>,
        %get3A_385 = vector.shape_cast %get3A_384 : vector<16xf32> to vector<16xf32>
        %add3A_386 = arith.constant 128 : i32
        %add3A_387 = arith.addi %mul3A_382, %add3A_386 : i32
        %get3A_388 = arith.index_cast %add3A_387 : i32 to index
        %get3A_389 = tpu.vector_load %arg5[%get3A_388] {strides = array<i32>} : memref<8672xf32, #tpu.memory_space<vmem>>, vector<16xf32>,
        %get3A_390 = vector.shape_cast %get3A_389 : vector<16xf32> to vector<16xf32>
        %max3A_391 = arith.maximumf %get3A_385, %get3A_390 : vector<16xf32>
        %swap3A_392 = arith.index_cast %mul3A_382 : i32 to index
        %swap3A_393 = tpu.vector_load %arg6[%swap3A_392] {strides = array<i32>} : memref<8672xf32, #tpu.memory_space<vmem>>, vector<16xf32>,
        %swap3A_394 = vector.shape_cast %swap3A_393 : vector<16xf32> to vector<16xf32>
        %swap3A_395 = vector.shape_cast %max3A_391 : vector<16xf32> to vector<16xf32>
        tpu.vector_store %arg6[%swap3A_392], %swap3A_395 {strides = array<i32>} : memref<8672xf32, #tpu.memory_space<vmem>>, vector<16xf32>,
        %scan3A_396 = arith.constant 2 : i32
        %scan3A_397 = arith.addi %scan3A_363, %scan3A_396 : i32
        %mul3A_398 = arith.constant 16 : i32
        %mul3A_399 = arith.muli %mul3A_398, %scan3A_397 : i32
        %get3A_400 = arith.index_cast %mul3A_399 : i32 to index
        %get3A_401 = tpu.vector_load %arg5[%get3A_400] {strides = array<i32>} : memref<8672xf32, #tpu.memory_space<vmem>>, vector<16xf32>,
        %get3A_402 = vector.shape_cast %get3A_401 : vector<16xf32> to vector<16xf32>
        %add3A_403 = arith.constant 128 : i32
        %add3A_404 = arith.addi %mul3A_399, %add3A_403 : i32
        %get3A_405 = arith.index_cast %add3A_404 : i32 to index
        %get3A_406 = tpu.vector_load %arg5[%get3A_405] {strides = array<i32>} : memref<8672xf32, #tpu.memory_space<vmem>>, vector<16xf32>,
        %get3A_407 = vector.shape_cast %get3A_406 : vector<16xf32> to vector<16xf32>
        %max3A_408 = arith.maximumf %get3A_402, %get3A_407 : vector<16xf32>
        %swap3A_409 = arith.index_cast %mul3A_399 : i32 to index
        %swap3A_410 = tpu.vector_load %arg6[%swap3A_409] {strides = array<i32>} : memref<8672xf32, #tpu.memory_space<vmem>>, vector<16xf32>,
        %swap3A_411 = vector.shape_cast %swap3A_410 : vector<16xf32> to vector<16xf32>
        %swap3A_412 = vector.shape_cast %max3A_408 : vector<16xf32> to vector<16xf32>
        tpu.vector_store %arg6[%swap3A_409], %swap3A_412 {strides = array<i32>} : memref<8672xf32, #tpu.memory_space<vmem>>, vector<16xf32>,
        %scan3A_413 = arith.constant 3 : i32
        %scan3A_414 = arith.addi %scan3A_363, %scan3A_413 : i32
        %mul3A_415 = arith.constant 16 : i32
        %mul3A_416 = arith.muli %mul3A_415, %scan3A_414 : i32
        %get3A_417 = arith.index_cast %mul3A_416 : i32 to index
        %get3A_418 = tpu.vector_load %arg5[%get3A_417] {strides = array<i32>} : memref<8672xf32, #tpu.memory_space<vmem>>, vector<16xf32>,
        %get3A_419 = vector.shape_cast %get3A_418 : vector<16xf32> to vector<16xf32>
        %add3A_420 = arith.constant 128 : i32
        %add3A_421 = arith.addi %mul3A_416, %add3A_420 : i32
        %get3A_422 = arith.index_cast %add3A_421 : i32 to index
        %get3A_423 = tpu.vector_load %arg5[%get3A_422] {strides = array<i32>} : memref<8672xf32, #tpu.memory_space<vmem>>, vector<16xf32>,
        %get3A_424 = vector.shape_cast %get3A_423 : vector<16xf32> to vector<16xf32>
        %max3A_425 = arith.maximumf %get3A_419, %get3A_424 : vector<16xf32>
        %swap3A_426 = arith.index_cast %mul3A_416 : i32 to index
        %swap3A_427 = tpu.vector_load %arg6[%swap3A_426] {strides = array<i32>} : memref<8672xf32, #tpu.memory_space<vmem>>, vector<16xf32>,
        %swap3A_428 = vector.shape_cast %swap3A_427 : vector<16xf32> to vector<16xf32>
        %swap3A_429 = vector.shape_cast %max3A_425 : vector<16xf32> to vector<16xf32>
        tpu.vector_store %arg6[%swap3A_426], %swap3A_429 {strides = array<i32>} : memref<8672xf32, #tpu.memory_space<vmem>>, vector<16xf32>,
      }
      %scan3A_200 = arith.constant 524 : i32
      %scan3A_201 = arith.addi %scan3A_196, %scan3A_200 : i32
      %mul3A_202 = arith.constant 16 : i32
      %mul3A_203 = arith.muli %mul3A_202, %scan3A_201 : i32
      %get3A_204 = arith.index_cast %mul3A_203 : i32 to index
      %get3A_205 = tpu.vector_load %arg5[%get3A_204] {strides = array<i32>} : memref<8672xf32, #tpu.memory_space<vmem>>, vector<16xf32>,
      %get3A_206 = vector.shape_cast %get3A_205 : vector<16xf32> to vector<16xf32>
      %add3A_207 = arith.constant 128 : i32
      %add3A_208 = arith.addi %mul3A_203, %add3A_207 : i32
      %get3A_209 = arith.index_cast %add3A_208 : i32 to index
      %get3A_210 = tpu.vector_load %arg5[%get3A_209] {strides = array<i32>} : memref<8672xf32, #tpu.memory_space<vmem>>, vector<16xf32>,
      %get3A_211 = vector.shape_cast %get3A_210 : vector<16xf32> to vector<16xf32>
      %max3A_212 = arith.maximumf %get3A_206, %get3A_211 : vector<16xf32>
      %swap3A_213 = arith.index_cast %mul3A_203 : i32 to index
      %swap3A_214 = tpu.vector_load %arg6[%swap3A_213] {strides = array<i32>} : memref<8672xf32, #tpu.memory_space<vmem>>, vector<16xf32>,
      %swap3A_215 = vector.shape_cast %swap3A_214 : vector<16xf32> to vector<16xf32>
      %swap3A_216 = vector.shape_cast %max3A_212 : vector<16xf32> to vector<16xf32>
      tpu.vector_store %arg6[%swap3A_213], %swap3A_216 {strides = array<i32>} : memref<8672xf32, #tpu.memory_space<vmem>>, vector<16xf32>,
      %scan3A_217 = arith.constant 525 : i32
      %broadcast_in_dim3A_218 = arith.constant -1.000000e+00 : f32
      %broadcast_in_dim3A_219 = vector.broadcast %broadcast_in_dim3A_218 : f32 to vector<16xf32>
      %broadcast_in_dim3A_220 = arith.constant 0 : i32
      %broadcast_in_dim3A_221 = vector.broadcast %broadcast_in_dim3A_220 : i32 to vector<16xi32>
      %broadcast_in_dim3A_222 = arith.constant -1.000000e+00 : f32
      %broadcast_in_dim3A_223 = vector.broadcast %broadcast_in_dim3A_222 : f32 to vector<16xf32>
      %broadcast_in_dim3A_224 = arith.constant 0 : i32
      %broadcast_in_dim3A_225 = vector.broadcast %broadcast_in_dim3A_224 : i32 to vector<16xi32>
      %scan3A_226 = arith.constant 0 : i32
      %scan3A_227 = arith.constant 512 : i32
      %scan3A_228 = arith.addi %scan3A_226, %scan3A_227 : i32
      %scan3A_229 = arith.constant 2 : i32
      %scan3A_230:4 = scf.for %scan3A_363 = %scan3A_226 to %scan3A_228 step %scan3A_229 iter_args(%scan3A_364 = %broadcast_in_dim3A_219, %scan3A_365 = %broadcast_in_dim3A_221, %scan3A_366 = %broadcast_in_dim3A_223, %scan3A_367 = %broadcast_in_dim3A_225) -> (vector<16xf32>, vector<16xi32>, vector<16xf32>, vector<16xi32>)  : i32 {
        %mul3A_368 = arith.constant 16 : i32
        %mul3A_369 = arith.muli %mul3A_368, %scan3A_363 : i32
        %add3A_370 = arith.constant 304 : i32
        %add3A_371 = arith.addi %mul3A_369, %add3A_370 : i32
        %get3A_372 = arith.index_cast %add3A_371 : i32 to index
        %get3A_373 = tpu.vector_load %arg4[%get3A_372] {strides = array<i32>} : memref<8672xf32, #tpu.memory_space<vmem>>, vector<16xf32>,
        %get3A_374 = vector.shape_cast %get3A_373 : vector<16xf32> to vector<16xf32>
        %add3A_375 = arith.constant 154 : i32
        %add3A_376 = arith.addi %mul3A_369, %add3A_375 : i32
        %get3A_377 = arith.index_cast %add3A_376 : i32 to index
        %get3A_378 = tpu.vector_load %arg6[%get3A_377] {strides = array<i32>} : memref<8672xf32, #tpu.memory_space<vmem>>, vector<16xf32>,
        %get3A_379 = vector.shape_cast %get3A_378 : vector<16xf32> to vector<16xf32>
        %add3A_380 = arith.constant 199 : i32
        %add3A_381 = arith.addi %mul3A_369, %add3A_380 : i32
        %get3A_382 = arith.index_cast %add3A_381 : i32 to index
        %get3A_383 = tpu.vector_load %arg6[%get3A_382] {strides = array<i32>} : memref<8672xf32, #tpu.memory_space<vmem>>, vector<16xf32>,
        %get3A_384 = vector.shape_cast %get3A_383 : vector<16xf32> to vector<16xf32>
        %max3A_385 = arith.maximumf %get3A_379, %get3A_384 : vector<16xf32>
        %eq3A_386 = arith.cmpf oeq, %get3A_374, %max3A_385 : vector<16xf32>
        %jit3A = arith.constant 0.000000e+00 : f32
        %broadcast_in_dim3A_387 = vector.broadcast %jit3A : f32 to vector<16xf32>
        %select_n3A_388 = arith.select %eq3A_386, %get3A_374, %broadcast_in_dim3A_387 : vector<16xi1>, vector<16xf32>
        %add3A_389 = vector.broadcast %mul3A_369 : i32 to vector<16xi32>
        %add3A_390 = arith.addi %iota3A, %add3A_389 : vector<16xi32>
        %gt3A = arith.cmpf ogt, %select_n3A_388, %scan3A_364 : vector<16xf32>
        %gt3A_391 = arith.cmpf ogt, %select_n3A_388, %scan3A_366 : vector<16xf32>
        %select_n3A_392 = arith.select %gt3A_391, %select_n3A_388, %scan3A_366 : vector<16xi1>, vector<16xf32>
        %select_n3A_393 = arith.select %gt3A, %scan3A_364, %select_n3A_392 : vector<16xi1>, vector<16xf32>
        %select_n3A_394 = arith.select %gt3A_391, %add3A_390, %scan3A_367 : vector<16xi1>, vector<16xi32>
        %select_n3A_395 = arith.select %gt3A, %scan3A_365, %select_n3A_394 : vector<16xi1>, vector<16xi32>
        %select_n3A_396 = arith.select %gt3A, %select_n3A_388, %scan3A_364 : vector<16xi1>, vector<16xf32>
        %select_n3A_397 = arith.select %gt3A, %add3A_390, %scan3A_365 : vector<16xi1>, vector<16xi32>
        %scan3A_398 = arith.constant 1 : i32
        %scan3A_399 = arith.addi %scan3A_363, %scan3A_398 : i32
        %mul3A_400 = arith.constant 16 : i32
        %mul3A_401 = arith.muli %mul3A_400, %scan3A_399 : i32
        %add3A_402 = arith.constant 304 : i32
        %add3A_403 = arith.addi %mul3A_401, %add3A_402 : i32
        %get3A_404 = arith.index_cast %add3A_403 : i32 to index
        %get3A_405 = tpu.vector_load %arg4[%get3A_404] {strides = array<i32>} : memref<8672xf32, #tpu.memory_space<vmem>>, vector<16xf32>,
        %get3A_406 = vector.shape_cast %get3A_405 : vector<16xf32> to vector<16xf32>
        %add3A_407 = arith.constant 154 : i32
        %add3A_408 = arith.addi %mul3A_401, %add3A_407 : i32
        %get3A_409 = arith.index_cast %add3A_408 : i32 to index
        %get3A_410 = tpu.vector_load %arg6[%get3A_409] {strides = array<i32>} : memref<8672xf32, #tpu.memory_space<vmem>>, vector<16xf32>,
        %get3A_411 = vector.shape_cast %get3A_410 : vector<16xf32> to vector<16xf32>
        %add3A_412 = arith.constant 199 : i32
        %add3A_413 = arith.addi %mul3A_401, %add3A_412 : i32
        %get3A_414 = arith.index_cast %add3A_413 : i32 to index
        %get3A_415 = tpu.vector_load %arg6[%get3A_414] {strides = array<i32>} : memref<8672xf32, #tpu.memory_space<vmem>>, vector<16xf32>,
        %get3A_416 = vector.shape_cast %get3A_415 : vector<16xf32> to vector<16xf32>
        %max3A_417 = arith.maximumf %get3A_411, %get3A_416 : vector<16xf32>
        %eq3A_418 = arith.cmpf oeq, %get3A_406, %max3A_417 : vector<16xf32>
        %jit3A_419 = arith.constant 0.000000e+00 : f32
        %broadcast_in_dim3A_420 = vector.broadcast %jit3A_419 : f32 to vector<16xf32>
        %select_n3A_421 = arith.select %eq3A_418, %get3A_406, %broadcast_in_dim3A_420 : vector<16xi1>, vector<16xf32>
        %add3A_422 = vector.broadcast %mul3A_401 : i32 to vector<16xi32>
        %add3A_423 = arith.addi %iota3A, %add3A_422 : vector<16xi32>
        %gt3A_424 = arith.cmpf ogt, %select_n3A_421, %select_n3A_396 : vector<16xf32>
        %gt3A_425 = arith.cmpf ogt, %select_n3A_421, %select_n3A_393 : vector<16xf32>
        %select_n3A_426 = arith.select %gt3A_425, %select_n3A_421, %select_n3A_393 : vector<16xi1>, vector<16xf32>
        %select_n3A_427 = arith.select %gt3A_424, %select_n3A_396, %select_n3A_426 : vector<16xi1>, vector<16xf32>
        %select_n3A_428 = arith.select %gt3A_425, %add3A_423, %select_n3A_395 : vector<16xi1>, vector<16xi32>
        %select_n3A_429 = arith.select %gt3A_424, %select_n3A_397, %select_n3A_428 : vector<16xi1>, vector<16xi32>
        %select_n3A_430 = arith.select %gt3A_424, %select_n3A_421, %select_n3A_396 : vector<16xi1>, vector<16xf32>
        %select_n3A_431 = arith.select %gt3A_424, %add3A_423, %select_n3A_397 : vector<16xi1>, vector<16xi32>
        scf.yield %select_n3A_430, %select_n3A_431, %select_n3A_427, %select_n3A_429 : vector<16xf32>, vector<16xi32>, vector<16xf32>, vector<16xi32>
      }
      %scan3A_231 = arith.constant 512 : i32
      %xor3A = arith.constant 1 : i32
      %xor3A_232 = vector.broadcast %xor3A : i32 to vector<16xi32>
      %xor3A_233 = arith.xori %iota3A, %xor3A_232 : vector<16xi32>
      %broadcast_in_dim3A_234 = vector.shape_cast %xor3A_233 : vector<16xi32> to vector<16x1xi32>
      %gather3A = vector.shape_cast %broadcast_in_dim3A_234 : vector<16x1xi32> to vector<16xi32>
      %gather3A_235 = tpu.dynamic_gather %scan3A_230#0[%gather3A] in [0] : vector<16xf32>, vector<16xi32> -> vector<16xf32>
      %max3A_236 = arith.maximumf %scan3A_230#0, %gather3A_235 : vector<16xf32>
      %xor3A_237 = arith.constant 2 : i32
      %xor3A_238 = vector.broadcast %xor3A_237 : i32 to vector<16xi32>
      %xor3A_239 = arith.xori %iota3A, %xor3A_238 : vector<16xi32>
      %broadcast_in_dim3A_240 = vector.shape_cast %xor3A_239 : vector<16xi32> to vector<16x1xi32>
      %gather3A_241 = vector.shape_cast %broadcast_in_dim3A_240 : vector<16x1xi32> to vector<16xi32>
      %gather3A_242 = tpu.dynamic_gather %max3A_236[%gather3A_241] in [0] : vector<16xf32>, vector<16xi32> -> vector<16xf32>
      %max3A_243 = arith.maximumf %max3A_236, %gather3A_242 : vector<16xf32>
      %xor3A_244 = arith.constant 4 : i32
      %xor3A_245 = vector.broadcast %xor3A_244 : i32 to vector<16xi32>
      %xor3A_246 = arith.xori %iota3A, %xor3A_245 : vector<16xi32>
      %broadcast_in_dim3A_247 = vector.shape_cast %xor3A_246 : vector<16xi32> to vector<16x1xi32>
      %gather3A_248 = vector.shape_cast %broadcast_in_dim3A_247 : vector<16x1xi32> to vector<16xi32>
      %gather3A_249 = tpu.dynamic_gather %max3A_243[%gather3A_248] in [0] : vector<16xf32>, vector<16xi32> -> vector<16xf32>
      %max3A_250 = arith.maximumf %max3A_243, %gather3A_249 : vector<16xf32>
      %xor3A_251 = arith.constant 8 : i32
      %xor3A_252 = vector.broadcast %xor3A_251 : i32 to vector<16xi32>
      %xor3A_253 = arith.xori %iota3A, %xor3A_252 : vector<16xi32>
      %broadcast_in_dim3A_254 = vector.shape_cast %xor3A_253 : vector<16xi32> to vector<16x1xi32>
      %gather3A_255 = vector.shape_cast %broadcast_in_dim3A_254 : vector<16x1xi32> to vector<16xi32>
      %gather3A_256 = tpu.dynamic_gather %max3A_250[%gather3A_255] in [0] : vector<16xf32>, vector<16xi32> -> vector<16xf32>
      %max3A_257 = arith.maximumf %max3A_250, %gather3A_256 : vector<16xf32>
      %eq3A = arith.cmpf oeq, %scan3A_230#0, %max3A_257 : vector<16xf32>
      %select_n3A = arith.select %eq3A, %scan3A_230#1, %broadcast_in_dim3A_16 : vector<16xi1>, vector<16xi32>
      %xor3A_258 = arith.constant 1 : i32
      %xor3A_259 = vector.broadcast %xor3A_258 : i32 to vector<16xi32>
      %xor3A_260 = arith.xori %iota3A, %xor3A_259 : vector<16xi32>
      %broadcast_in_dim3A_261 = vector.shape_cast %xor3A_260 : vector<16xi32> to vector<16x1xi32>
      %gather3A_262 = vector.shape_cast %broadcast_in_dim3A_261 : vector<16x1xi32> to vector<16xi32>
      %gather3A_263 = tpu.dynamic_gather %select_n3A[%gather3A_262] in [0] : vector<16xi32>, vector<16xi32> -> vector<16xi32>
      %min3A = arith.minsi %select_n3A, %gather3A_263 : vector<16xi32>
      %xor3A_264 = arith.constant 2 : i32
      %xor3A_265 = vector.broadcast %xor3A_264 : i32 to vector<16xi32>
      %xor3A_266 = arith.xori %iota3A, %xor3A_265 : vector<16xi32>
      %broadcast_in_dim3A_267 = vector.shape_cast %xor3A_266 : vector<16xi32> to vector<16x1xi32>
      %gather3A_268 = vector.shape_cast %broadcast_in_dim3A_267 : vector<16x1xi32> to vector<16xi32>
      %gather3A_269 = tpu.dynamic_gather %min3A[%gather3A_268] in [0] : vector<16xi32>, vector<16xi32> -> vector<16xi32>
      %min3A_270 = arith.minsi %min3A, %gather3A_269 : vector<16xi32>
      %xor3A_271 = arith.constant 4 : i32
      %xor3A_272 = vector.broadcast %xor3A_271 : i32 to vector<16xi32>
      %xor3A_273 = arith.xori %iota3A, %xor3A_272 : vector<16xi32>
      %broadcast_in_dim3A_274 = vector.shape_cast %xor3A_273 : vector<16xi32> to vector<16x1xi32>
      %gather3A_275 = vector.shape_cast %broadcast_in_dim3A_274 : vector<16x1xi32> to vector<16xi32>
      %gather3A_276 = tpu.dynamic_gather %min3A_270[%gather3A_275] in [0] : vector<16xi32>, vector<16xi32> -> vector<16xi32>
      %min3A_277 = arith.minsi %min3A_270, %gather3A_276 : vector<16xi32>
      %xor3A_278 = arith.constant 8 : i32
      %xor3A_279 = vector.broadcast %xor3A_278 : i32 to vector<16xi32>
      %xor3A_280 = arith.xori %iota3A, %xor3A_279 : vector<16xi32>
      %broadcast_in_dim3A_281 = vector.shape_cast %xor3A_280 : vector<16xi32> to vector<16x1xi32>
      %gather3A_282 = vector.shape_cast %broadcast_in_dim3A_281 : vector<16x1xi32> to vector<16xi32>
      %gather3A_283 = tpu.dynamic_gather %min3A_277[%gather3A_282] in [0] : vector<16xi32>, vector<16xi32> -> vector<16xi32>
      %min3A_284 = arith.minsi %min3A_277, %gather3A_283 : vector<16xi32>
      %eq3A_285 = arith.cmpi eq, %scan3A_230#1, %min3A_284 : vector<16xi32>
      %select_n3A_286 = arith.select %eq3A_285, %scan3A_230#2, %scan3A_230#0 : vector<16xi1>, vector<16xf32>
      %select_n3A_287 = arith.select %eq3A_285, %scan3A_230#3, %scan3A_230#1 : vector<16xi1>, vector<16xi32>
      %xor3A_288 = arith.constant 1 : i32
      %xor3A_289 = vector.broadcast %xor3A_288 : i32 to vector<16xi32>
      %xor3A_290 = arith.xori %iota3A, %xor3A_289 : vector<16xi32>
      %broadcast_in_dim3A_291 = vector.shape_cast %xor3A_290 : vector<16xi32> to vector<16x1xi32>
      %gather3A_292 = vector.shape_cast %broadcast_in_dim3A_291 : vector<16x1xi32> to vector<16xi32>
      %gather3A_293 = tpu.dynamic_gather %select_n3A_286[%gather3A_292] in [0] : vector<16xf32>, vector<16xi32> -> vector<16xf32>
      %max3A_294 = arith.maximumf %select_n3A_286, %gather3A_293 : vector<16xf32>
      %xor3A_295 = arith.constant 2 : i32
      %xor3A_296 = vector.broadcast %xor3A_295 : i32 to vector<16xi32>
      %xor3A_297 = arith.xori %iota3A, %xor3A_296 : vector<16xi32>
      %broadcast_in_dim3A_298 = vector.shape_cast %xor3A_297 : vector<16xi32> to vector<16x1xi32>
      %gather3A_299 = vector.shape_cast %broadcast_in_dim3A_298 : vector<16x1xi32> to vector<16xi32>
      %gather3A_300 = tpu.dynamic_gather %max3A_294[%gather3A_299] in [0] : vector<16xf32>, vector<16xi32> -> vector<16xf32>
      %max3A_301 = arith.maximumf %max3A_294, %gather3A_300 : vector<16xf32>
      %xor3A_302 = arith.constant 4 : i32
      %xor3A_303 = vector.broadcast %xor3A_302 : i32 to vector<16xi32>
      %xor3A_304 = arith.xori %iota3A, %xor3A_303 : vector<16xi32>
      %broadcast_in_dim3A_305 = vector.shape_cast %xor3A_304 : vector<16xi32> to vector<16x1xi32>
      %gather3A_306 = vector.shape_cast %broadcast_in_dim3A_305 : vector<16x1xi32> to vector<16xi32>
      %gather3A_307 = tpu.dynamic_gather %max3A_301[%gather3A_306] in [0] : vector<16xf32>, vector<16xi32> -> vector<16xf32>
      %max3A_308 = arith.maximumf %max3A_301, %gather3A_307 : vector<16xf32>
      %xor3A_309 = arith.constant 8 : i32
      %xor3A_310 = vector.broadcast %xor3A_309 : i32 to vector<16xi32>
      %xor3A_311 = arith.xori %iota3A, %xor3A_310 : vector<16xi32>
      %broadcast_in_dim3A_312 = vector.shape_cast %xor3A_311 : vector<16xi32> to vector<16x1xi32>
      %gather3A_313 = vector.shape_cast %broadcast_in_dim3A_312 : vector<16x1xi32> to vector<16xi32>
      %gather3A_314 = tpu.dynamic_gather %max3A_308[%gather3A_313] in [0] : vector<16xf32>, vector<16xi32> -> vector<16xf32>
      %max3A_315 = arith.maximumf %max3A_308, %gather3A_314 : vector<16xf32>
      %eq3A_316 = arith.cmpf oeq, %select_n3A_286, %max3A_315 : vector<16xf32>
      %select_n3A_317 = arith.select %eq3A_316, %select_n3A_287, %broadcast_in_dim3A_16 : vector<16xi1>, vector<16xi32>
      %xor3A_318 = arith.constant 1 : i32
      %xor3A_319 = vector.broadcast %xor3A_318 : i32 to vector<16xi32>
      %xor3A_320 = arith.xori %iota3A, %xor3A_319 : vector<16xi32>
      %broadcast_in_dim3A_321 = vector.shape_cast %xor3A_320 : vector<16xi32> to vector<16x1xi32>
      %gather3A_322 = vector.shape_cast %broadcast_in_dim3A_321 : vector<16x1xi32> to vector<16xi32>
      %gather3A_323 = tpu.dynamic_gather %select_n3A_317[%gather3A_322] in [0] : vector<16xi32>, vector<16xi32> -> vector<16xi32>
      %min3A_324 = arith.minsi %select_n3A_317, %gather3A_323 : vector<16xi32>
      %xor3A_325 = arith.constant 2 : i32
      %xor3A_326 = vector.broadcast %xor3A_325 : i32 to vector<16xi32>
      %xor3A_327 = arith.xori %iota3A, %xor3A_326 : vector<16xi32>
      %broadcast_in_dim3A_328 = vector.shape_cast %xor3A_327 : vector<16xi32> to vector<16x1xi32>
      %gather3A_329 = vector.shape_cast %broadcast_in_dim3A_328 : vector<16x1xi32> to vector<16xi32>
      %gather3A_330 = tpu.dynamic_gather %min3A_324[%gather3A_329] in [0] : vector<16xi32>, vector<16xi32> -> vector<16xi32>
      %min3A_331 = arith.minsi %min3A_324, %gather3A_330 : vector<16xi32>
      %xor3A_332 = arith.constant 4 : i32
      %xor3A_333 = vector.broadcast %xor3A_332 : i32 to vector<16xi32>
      %xor3A_334 = arith.xori %iota3A, %xor3A_333 : vector<16xi32>
      %broadcast_in_dim3A_335 = vector.shape_cast %xor3A_334 : vector<16xi32> to vector<16x1xi32>
      %gather3A_336 = vector.shape_cast %broadcast_in_dim3A_335 : vector<16x1xi32> to vector<16xi32>
      %gather3A_337 = tpu.dynamic_gather %min3A_331[%gather3A_336] in [0] : vector<16xi32>, vector<16xi32> -> vector<16xi32>
      %min3A_338 = arith.minsi %min3A_331, %gather3A_337 : vector<16xi32>
      %xor3A_339 = arith.constant 8 : i32
      %xor3A_340 = vector.broadcast %xor3A_339 : i32 to vector<16xi32>
      %xor3A_341 = arith.xori %iota3A, %xor3A_340 : vector<16xi32>
      %broadcast_in_dim3A_342 = vector.shape_cast %xor3A_341 : vector<16xi32> to vector<16x1xi32>
      %gather3A_343 = vector.shape_cast %broadcast_in_dim3A_342 : vector<16x1xi32> to vector<16xi32>
      %gather3A_344 = tpu.dynamic_gather %min3A_338[%gather3A_343] in [0] : vector<16xi32>, vector<16xi32> -> vector<16xi32>
      %min3A_345 = arith.minsi %min3A_338, %gather3A_344 : vector<16xi32>
      %lt3A = arith.constant 2 : i32
      %lt3A_346 = vector.broadcast %lt3A : i32 to vector<16xi32>
      %lt3A_347 = arith.cmpi slt, %iota3A, %lt3A_346 : vector<16xi32>
      %eq3A_348 = arith.constant 0 : i32
      %eq3A_349 = vector.broadcast %eq3A_348 : i32 to vector<16xi32>
      %eq3A_350 = arith.cmpi eq, %iota3A, %eq3A_349 : vector<16xi32>
      %select_n3A_351 = arith.select %eq3A_350, %max3A_257, %max3A_315 : vector<16xi1>, vector<16xf32>
      %eq3A_352 = arith.constant 2 : i32
      %eq3A_353 = vector.broadcast %eq3A_352 : i32 to vector<16xi32>
      %eq3A_354 = arith.cmpi eq, %iota3A, %eq3A_353 : vector<16xi32>
      %select_n3A_355 = arith.select %eq3A_354, %min3A_284, %min3A_345 : vector<16xi1>, vector<16xi32>
      %bitcast_convert_type3A = tpu.bitcast %select_n3A_355 : vector<16xi32> -> vector<16xf32>
      %select_n3A_356 = arith.select %lt3A_347, %select_n3A_351, %bitcast_convert_type3A : vector<16xi1>, vector<16xf32>
      %mul3A_357 = arith.constant 16 : i32
      %mul3A_358 = arith.muli %mul3A_357, %scan3A_27 : i32
      %swap3A_359 = arith.index_cast %mul3A_358 : i32 to index
      %swap3A_360 = tpu.vector_load %arg7[%swap3A_359] {strides = array<i32>} : memref<768xf32, #tpu.memory_space<vmem>>, vector<16xf32>,
      %swap3A_361 = vector.shape_cast %swap3A_360 : vector<16xf32> to vector<16xf32>
      %swap3A_362 = vector.shape_cast %select_n3A_356 : vector<16xf32> to vector<16xf32>
      tpu.vector_store %arg7[%swap3A_359], %swap3A_362 {strides = array<i32>} : memref<768xf32, #tpu.memory_space<vmem>>, vector<16xf32>,
    }
    %scan3A_22 = arith.constant 48 : i32
    %mul3A_23 = arith.constant 48 : i32
    %mul3A_24 = arith.muli %add3A, %mul3A_23 : i32
    %mul3A_25 = arith.constant 16 : i32
    %mul3A_26 = arith.muli %mul3A_24, %mul3A_25 : i32
    "tpu.region"() ({
      %run_scoped3A = tpu.sem_alloc : memref<!tpu.dma_semaphore, #tpu.memory_space<semaphore_mem>>
      %dma_start3A = tpu.memref_slice %arg3[%mul3A_26] : memref<24576xf32, #tpu.memory_space<hbm>> -> memref<768xf32, #tpu.memory_space<hbm>>
      %dma_start3A_27 = tpu.memref_slice %arg3[%mul3A_26] : memref<24576xf32, #tpu.memory_space<hbm>> -> memref<768xf32, #tpu.memory_space<hbm>>
      tpu.enqueue_dma source(%arg7 : memref<768xf32, #tpu.memory_space<vmem>>) target(%dma_start3A_27 : memref<768xf32, #tpu.memory_space<hbm>>) target_semaphore(%run_scoped3A : memref<!tpu.dma_semaphore, #tpu.memory_space<semaphore_mem>>)
      %dma_wait3A = tpu.memref_slice %arg3[%mul3A_26] : memref<24576xf32, #tpu.memory_space<hbm>> -> memref<768xf32, #tpu.memory_space<hbm>>
      %dma_wait3A_28 = tpu.memref_slice %arg3[%mul3A_26] : memref<24576xf32, #tpu.memory_space<hbm>> -> memref<768xf32, #tpu.memory_space<hbm>>
      tpu.wait_dma2 semaphore(%run_scoped3A : memref<!tpu.dma_semaphore, #tpu.memory_space<semaphore_mem>>) src(%arg7 : memref<768xf32, #tpu.memory_space<vmem>>) dst(%dma_wait3A_28 : memref<768xf32, #tpu.memory_space<hbm>>)
      tpu.yield
    }) : () -> ()
    return
  }
}

</mosaic_0001>

<sc_bundles>
// kernel: _peaks.3.cloned.1.call-start
scs
__scs_entry_jumppad:
0x0: {  	(pc) =	sbr.rel $0x88, $3  }
0x1: {  	(tag) =	ssettag $0x0;
	lr =	simm.s32 $0x1  }
0x2: {  	[smem:$0x3FA0] =	sst lr;
	_ =	strace $0xD0000000  }
0x3: {  	_ = 	snop  }
0x4: {  	_ = 	snop  }
0x5: {  	_ = 	snop  }
0x6: {  	_ = 	snop  }
0x7: {  	_ = 	snop  }
__scs_overlays_trampoline_lowered:
0x8: {  	[smem:$0x3FAF] =	sst s0  }
0x9: {  	[smem:$0x3FB0] =	sst s1  }
0xa: {  	[smem:$0x3FB1] =	sst s2  }
0xb: {  	[smem:$0x3FB2] =	sst s3  }
0xc: {  	[smem:$0x3FB3] =	sst s4  }
0xd: {  	[smem:$0x3FB4] =	sst s5  }
0xe: {  	[smem:$0x3FB5] =	sst s6  }
0xf: {  	[smem:$0x3FB6] =	sst s7  }
0x10: {  	[smem:$0x3FB7] =	sst s8  }
0x11: {  	[smem:$0x3FB8] =	sst s9;
	s0 =	simm.s32 @!p0 $0x0  }
0x12: {  	s1 =	sld [smem:$0x3F9E];
	s0 =	simm.s32 @p0 $0x1  }
0x13: {  	[smem:$0x3FB9] =	sst s0;
	s0 =	simm.s32 @!p1 $0x0  }
0x14: {  	s2 =	sld [smem:$0x3F9D];
	s0 =	simm.s32 @p1 $0x1  }
0x15: {  	[smem:$0x3FBA] =	sst s0;
	s0 =	simm.s32 @!p2 $0x0  }
0x16: {  	s3 =	sld [smem:$0x3FDB];
	s0 =	simm.s32 @p2 $0x1  }
0x17: {  	s4 =	simm.s32 $0x1BF5;
	[smem:$0x3FBC] =	sst s0  }
0x18: {  	s0 =	sld [smem:$0x3F9F];
	_ =	swait.ge [sflag:s4], $0x0  }
0x19: {  	s7 =	sld [smem:$0x3FA0]  }
0x1a: {  	s8 =	sadd.s32 $0xFFFFE003, lr  }
0x1b: {  	s9 =	sadd.s32 $0xFFFFFEF7, lr;
	s5 =	simm.s32 $0xFFFFFFFF;
	p2 =	slt.u32 s8, $0xFFFFF086  }
0x1c: {  	p1 =	slt.u32 s9, $0xF7A;
	s5 =	simm.s32 @!p2 $0x0  }
0x1d: {  	s5 =	simm.s32 @p1 $0x1;
	p0 =	seq.s32 s7, s2  }
0x1e: {  	s7 =	smul.u32 @!p0 $0xF7A, s2;
	p2 =	seq.s32 @!p0 s5, $0x0  }
0x1f: {  	s9 =	smul.u32 $0xF7A, s1;
	s8 =	simm.s32 @!p0 $0x1BF5;
	p2 =	por !p2, p0  }
0x20: {  	[sflag:s8] =	ssyncset.s32 @!p0 $0xFFFFF086;
	s6 =	sadd.s32 @!p0 s3, s7;
	s7 =	simm.s32 @!p0 $0x108  }
0x21: {  	s3 =	sadd.s32 s3, s9;
	s6 =	sadd.s32 @!p0 $0x88, s6;
	s7 =	simm.s32 @p2 $0x1082  }
0x22: {  	[simem:s7], [sflag:s8] =	dma.local @!p0 [hbm:s6], $0xF7A  }
0x23: {  	s9 =	sor.u32 $0xD0000000, s2;
	s6 =	simm.s32 $0x108;
	_ =	swait.ge @!p0 [sflag:s8], $0x0  }
0x24: {  	s3 =	sadd.s32 $0x88, s3;
	s6 =	simm.s32 @!p1 $0x1082;
	[sflag:s4] =	ssyncset.s32 $0xFFFFF086  }
0x25: {  	[simem:s6], [sflag:s4] =	dma.local [hbm:s3], $0xF7A  }
0x26: {  	[smem:$0x3FA0] =	sst s1;
	(tag) =	ssettag s2;
	_ =	strace s9  }
0x27: {  	s1 =	sld [smem:$0x3FB0]  }
0x28: {  	s2 =	sld [smem:$0x3FB1]  }
0x29: {  	s4 =	sld [smem:$0x3FB3]  }
0x2a: {  	p0 =	seq.s32 s5, $0x0;
	s5 =	sld [smem:$0x3FB4]  }
0x2b: {  	s6 =	sld [smem:$0x3FB5]  }
0x2c: {  	s7 =	sld [smem:$0x3FB6]  }
0x2d: {  	s3 =	simm.s32 $0x108;
	s8 =	sld [smem:$0x3FB7]  }
0x2e: {  	s3 =	simm.s32 @!p0 $0x1082;
	s9 =	sld [smem:$0x3FB8]  }
0x2f: {  	lr =	sadd.s32 s0, s3;
	s0 =	sld [smem:$0x3FAF]  }
0x30: {  	s3 =	sld [smem:$0x3FB2]  }
0x31: {  	[smem:$0x3FBB] =	sst s10  }
0x32: {  	s10 =	sld [smem:$0x3FB9];
	_ =	sdelay $0x3  }
0x33: {  	p0 =	seq.s32 s10, $0x1;
	s10 =	sld [smem:$0x3FBB];
	_ =	sdelay $0x3  }
0x34: {  	[smem:$0x3FBB] =	sst s10  }
0x35: {  	s10 =	sld [smem:$0x3FBA];
	_ =	sdelay $0x3  }
0x36: {  	p1 =	seq.s32 s10, $0x1;
	s10 =	sld [smem:$0x3FBB];
	_ =	sdelay $0x3  }
0x37: {  	[smem:$0x3FBB] =	sst s10  }
0x38: {  	s10 =	sld [smem:$0x3FBC]  }
0x39: {  	_ = 	snop;
	(pc) =	sbr.ind lr, $3  }
0x3a: {  	_ = 	snop  }
0x3b: {  	_ = 	snop  }
0x3c: {  	p2 =	seq.s32 s10, $0x1;
	s10 =	sld [smem:$0x3FBB]  }
0x3d: {  	_ =	shalt  }
0x3e: {  	_ =	shalt  }
0x3f: {  	_ =	shalt  }
0x40: {  	_ =	shalt  }
0x41: {  	_ =	shalt  }
0x42: {  	_ =	shalt  }
0x43: {  	_ =	shalt  }
0x44: {  	_ =	shalt  }
0x45: {  	_ =	shalt  }
0x46: {  	_ =	shalt  }
0x47: {  	_ =	shalt  }
0x48: {  	_ =	shalt  }
0x49: {  	_ =	shalt  }
0x4a: {  	_ =	shalt  }
0x4b: {  	_ =	shalt  }
0x4c: {  	_ =	shalt  }
0x4d: {  	_ =	shalt  }
0x4e: {  	_ =	shalt  }
0x4f: {  	_ =	shalt  }
0x50: {  	_ =	shalt  }
0x51: {  	_ =	shalt  }
0x52: {  	_ =	shalt  }
0x53: {  	_ =	shalt  }
0x54: {  	_ =	shalt  }
0x55: {  	_ =	shalt  }
0x56: {  	_ =	shalt  }
0x57: {  	_ =	shalt  }
0x58: {  	_ =	shalt  }
0x59: {  	_ =	shalt  }
0x5a: {  	_ =	shalt  }
0x5b: {  	_ =	shalt  }
0x5c: {  	_ =	shalt  }
0x5d: {  	_ =	shalt  }
0x5e: {  	_ =	shalt  }
0x5f: {  	_ =	shalt  }
0x60: {  	_ =	shalt  }
0x61: {  	_ =	shalt  }
0x62: {  	_ =	shalt  }
0x63: {  	_ =	shalt  }
0x64: {  	_ =	shalt  }
0x65: {  	_ =	shalt  }
0x66: {  	_ =	shalt  }
0x67: {  	_ =	shalt  }
0x68: {  	_ =	shalt  }
0x69: {  	_ =	shalt  }
0x6a: {  	_ =	shalt  }
0x6b: {  	_ =	shalt  }
0x6c: {  	_ =	shalt  }
0x6d: {  	_ =	shalt  }
0x6e: {  	_ =	shalt  }
0x6f: {  	_ =	shalt  }
0x70: {  	_ =	shalt  }
0x71: {  	_ =	shalt  }
0x72: {  	_ =	shalt  }
0x73: {  	_ =	shalt  }
0x74: {  	_ =	shalt  }
0x75: {  	_ =	shalt  }
0x76: {  	_ =	shalt  }
0x77: {  	_ =	shalt  }
0x78: {  	_ =	shalt  }
0x79: {  	_ =	shalt  }
0x7a: {  	_ =	shalt  }
0x7b: {  	_ =	shalt  }
0x7c: {  	_ =	shalt  }
0x7d: {  	_ =	shalt  }
0x7e: {  	_ =	shalt  }
0x7f: {  	_ =	shalt  }
0x80: {  	_ =	shalt  }
0x81: {  	_ =	shalt  }
0x82: {  	_ =	shalt  }
0x83: {  	_ =	shalt  }
0x84: {  	_ =	shalt  }
0x85: {  	_ =	shalt  }
0x86: {  	_ =	shalt  }
0x87: {  	_ =	shalt  }
.Lfunc_end0:
.L_simem_size_0:
called_computation_lowered:
.L_overlay_start_0:
0x88: {  	s2 =	sld [smem:$0x3FD9]  }
0x89: {  	s3 =	sld [smem:$0x3FFE];
	_ =	sdelay $0x1  }
0x8a: {  	s1 =	srdreg.scid  }
0x8b: {  	s0 =	sand.u32 $0x1, s1  }
0x8c: {  	s18 =	sshll.u32 s0, $0xA;
	s2 =	sadd.s32 s3, s2  }
0x8d: {  	s2 =	sadd.s32 s2, s18  }
0x8e: {  	[smem:$0x3FC7] =	sst s2  }
0x8f: {  	_ = 	snop  }
0x90: {  	s2 =	sld [smem:$0x3FC9]  }
0x91: {  	s19 =	sld [smem:$0x3FD0];
	(tm) =	ssettm $0x1  }
0x92: {  	s4 =	sld [smem:$0x3FFB];
	_ =	sdelay $0x3  }
0x93: {  	_ =	strace s4  }
0x94: {  	s4 =	sld [smem:$0x3FFC];
	_ =	sdelay $0x3  }
0x95: {  	_ =	strace s4  }
0x96: {  	s4 =	sld [smem:$0x3FFD];
	_ =	sdelay $0x3  }
0x97: {  	_ =	strace s4  }
0x98: {  	_ =	strace $0x8FFFFFFF  }
0x99: {  	s20 =	sld [smem:$0x3FDB];
	_ =	sdelay $0x1  }
0x9a: {  	s5 =	simm.s32 $_scs_section_size  }
0x9b: {  	s6 =	simm.s32 $_size__tile_overlayer_lowered;
	s7 =	simm.s32 $_tile_overlayer_lowered  }
0x9c: {  	s23 =	simm.s32 $0x1BFF;
	s22 =	sshll.u32 s7, $0x1;
	s4 =	sadd.s32 s5, s20  }
0x9d: {  	s8 =	simm.s32 $0x0;
	s21 =	sshll.u32 s6, $0x1;
	s6 =	sadd.s32 s22, s4  }
0x9e: {  	[timem:s8], [sflag:s23] =	dma.local [hbm:s6], s21  }
0x9f: {  	_ =	swait.ge [sflag:s23], s21  }
0xa0: {  	s5 =	ssub.s32 $0x0, s21;
	[sflag:s23] =	ssyncset.done $0x0  }
0xa1: {  	[sflag:s23] =	ssyncadd.s32 s5;
	_ =	sdelay $0x1  }
0xa2: {  	s24 =	simm.s32 $0x1B8B  }
0xa3: {  	_ =	swait.ge [sflag:s24], $0x1  }
0xa4: {  	[sflag:s24] =	ssyncset.done $0x0  }
0xa5: {  	s25 =	simm.s32 $0x1B8E;
	[sflag:s24] =	ssyncadd.s32 $0xFFFFFFFF  }
0xa6: {  	s26 =	simm.s32 $execute0_lowered;
	[smem:$0x3FD2] =	sst s25  }
0xa7: {  	s5 =	sshll.u32 s26, $0x1;
	_ =	strace $0x80000046;
	[dreg:$0x1] =	wrdreg $0xFFFFFFFF  }
0xa8: {  	s28 =	simm.s32 $_size_execute0_lowered;
	s4 =	sadd.s32 s4, s5;
	[dreg:$0x0] =	wrdreg $0x0  }
0xa9: {  	s5 =	sshll.u32 s28, $0x1;
	[dreg:$0x2] =	wrdreg s4  }
0xaa: {  	[dreg:$0x3] =	wrdreg s5  }
0xab: {  	[dreg:$0x4] =	wrdreg $0xC0  }
0xac: {  	_ =	task [dreg:s8], $0x5FFFF  }
0xad: {  	[dreg:$0x1] =	wrdreg $0xFFFFFFFF  }
0xae: {  	[dreg:$0x0] =	wrdreg $0x60  }
0xaf: {  	[dreg:$0x2] =	wrdreg s2  }
0xb0: {  	[dreg:$0x3] =	wrdreg s19  }
0xb1: {  	[dreg:$0x4] =	wrdreg $0x9  }
0xb2: {  	_ =	task.clear_ibuf [dreg:s8], $0x5FFFF;
	_ =	strace $0x90000046  }
0xb3: {  	s29 =	simm.s32 $0x9;
	_ =	strace $0x80000048  }
0xb4: {  	_ =	swait.ge [sflag:s29], $0x1  }
0xb5: {  	[sflag:s29] =	ssyncadd.s32 $0xFFFFFFFF  }
0xb6: {  	_ =	strace $0x90000048  }
0xb7: {  	_ =	sfence  }
0xb8: {  	s30 =	sld [smem:$0x0];
	_ =	sdelay $0x2  }
0xb9: {  	s31 =	sshll.u32 s1, $0xD;
	s1 =	sshrl.u32 s1, $0x2  }
0xba: {  	s3 =	sand.u32 $0x4000, s31;
	s1 =	sadd.s32 s1, s30  }
0xbb: {  	s0 =	sor.u32 s3, s0;
	s1 =	sshll.u32 s1, $0x11  }
0xbc: {  	s0 =	sor.u32 s1, s0  }
0xbd: {  	s0 =	sadd.s32 $0x8F2B, s0  }
0xbe: {  	[sflag:s0] =	ssyncadd.remote.s32 $0x1  }
0xbf: {  	_ =	sfence.sel $0xFFFF  }
0xc0: {  	[dreg:$0x0] =	wrdreg $0xFFFFFFFF;
	(pc) =	sbr.abs _section_cstart, $3  }
0xc1: {  	[dreg:$0x1] =	wrdreg $0xFFFFFFFF  }
0xc2: {  	_ =	task.clear_ibuf [dreg:s8], $0x2FFFF;
	_ =	strace $0x9FFFFFFF  }
0xc3: {  	(tm) =	ssettm $0x7FFFFFFF  }
tec
execute0_lowered:
.L_overlay_start_1:
0x0: {  	(tag) =	ssettag $0x1  }
0x1: {  	v0 =	vimm.s32 $0xEFCDAB89  }
0x2: {  	v1 =	vimm.s32 $0x67452301;
	v2 =	vimm.s32 $0xDCFE98BA;
	v3 =	vimm.s32 $0x54761032  }
0x3: {  	v4 =	vimm.s32 $0xBA98FEDC;
	v5 =	vimm.s32 $0x32107654;
	v6 =	vimm.s32 $0xFEDCBA98  }
0x4: {  	v7 =	vimm.s32 $0x76543210;
	vm0 =	vmmov $0x1;
	vm1 =	vcmask $0x3F0C  }
0x5: {  	s0 =	rddreg [dreg:$0x0];
	vm2 =	vmmov $0x3;
	v0 =	vunpack.c.l.s4.s8 v0;
	v1 =	vunpack.c.l.s4.s8 v1  }
0x6: {  	s5 =	rddreg [dreg:$0x1];
	v2 =	vunpack.c.l.s4.s8 v2;
	v3 =	vunpack.c.l.s4.s8 v3;
	v4 =	vunpack.c.l.s4.s8 v4  }
0x7: {  	s3 =	srdreg.scid;
	s1 =	stileid.u32;
	v5 =	vunpack.c.l.s4.s8 v5;
	v6 =	vunpack.c.l.s4.s8 v6;
	v0 =	vunpack.c.0.s8.s32 v0  }
0x8: {  	s2 =	rddreg [dreg:$0x2];
	s9 =	simm.s32 $0x6600;
	s10 =	simm.s32 $0x0;
	v1 =	vunpack.c.0.s8.s32 v1;
	v2 =	vunpack.c.0.s8.s32 v2;
	v3 =	vunpack.c.0.s8.s32 v3  }
0x9: {  	s4 =	sand.u32 $0x1, s3;
	s6 =	sshll.u32 s1, $0x1;
	v7 =	vunpack.c.l.s4.s8 v7;
	s3 =	simm.s32 $0x0;
	v4 =	vunpack.c.0.s8.s32 v4;
	v5 =	vunpack.c.0.s8.s32 v5  }
0xa: {  	s7 =	ssub.s32 $0x2, s4;
	s4 =	sor.u32 s4, s6;
	[smem:$0x7FF] =	sst s3;
	v6 =	vunpack.c.0.s8.s32 v6;
	v8 =	vcombine.low v1, v0;
	v3 =	vcombine.low v3, v2  }
0xb: {  	s31 =	sshrl.u32 s7, $0x1;
	s8 =	smul.u32 $0x60, s4;
	_ =	strace $0x80000047;
	v0 =	vimm.f32 $-Inf;
	v4 =	vcombine.low v5, v4;
	v5 =	vunpack.c.0.s8.s32 v7  }
0xc: {  	s4 =	smul.u32 $0x30, s4;
	s6 =	ssub.s32 s7, s31;
	s7 =	simm.s32 $0x130;
	v1 =	vlaneseq.u32;
	v6 =	vand.u32 $0xF, v6;
	v2 =	vand.u32 $0xF, v8  }
0xd: {  	s5 =	sadd.s32 s5, s8;
	s6 =	smax.u32 s6, $0x1;
	s8 =	simm.s32 $0x1;
	v3 =	vand.u32 $0xF, v3;
	v4 =	vand.u32 $0xF, v4;
	v5 =	vcombine.low v6, v5  }
.LBB2_1:
0xe: {  	[tilespmem:$0x0] =	vst v0  }
0xf: {  	[tilespmem:$0x10] =	vst v0  }
0x10: {  	[tilespmem:$0x20] =	vst v0  }
0x11: {  	[tilespmem:$0x30] =	vst v0  }
0x12: {  	[tilespmem:$0x40] =	vst v0  }
0x13: {  	[tilespmem:$0x50] =	vst v0  }
0x14: {  	[tilespmem:$0x60] =	vst v0  }
0x15: {  	[tilespmem:$0x70] =	vst v0  }
0x16: {  	[tilespmem:$0x80] =	vst v0  }
0x17: {  	[tilespmem:$0x90] =	vst v0  }
0x18: {  	[tilespmem:$0xA0] =	vst v0  }
0x19: {  	[tilespmem:$0xB0] =	vst v0  }
0x1a: {  	[tilespmem:$0xC0] =	vst v0  }
0x1b: {  	[tilespmem:$0xD0] =	vst v0  }
0x1c: {  	[tilespmem:$0xE0] =	vst v0  }
0x1d: {  	[tilespmem:$0xF0] =	vst v0  }
0x1e: {  	[tilespmem:$0x100] =	vst v0  }
0x1f: {  	[tilespmem:$0x110] =	vst v0  }
0x20: {  	[tilespmem:$0x120] =	vst v0  }
0x21: {  	[tilespmem:$0x2130] =	vst v0  }
0x22: {  	[tilespmem:$0x2140] =	vst v0  }
0x23: {  	[tilespmem:$0x2150] =	vst v0  }
0x24: {  	[tilespmem:$0x2160] =	vst v0  }
0x25: {  	[tilespmem:$0x2170] =	vst v0  }
0x26: {  	[tilespmem:$0x2180] =	vst v0  }
0x27: {  	[tilespmem:$0x2190] =	vst v0  }
0x28: {  	[tilespmem:$0x21A0] =	vst v0  }
0x29: {  	[tilespmem:$0x21B0] =	vst v0  }
0x2a: {  	[tilespmem:$0x21C0] =	vst v0  }
0x2b: {  	[tilespmem:$0x21D0] =	vst v0;
	s11 =	simm.s32 $0x0  }
.LBB2_2:
0x2c: {  	s12 =	sadd.s32 s4, s11  }
0x2d: {  	s12 =	sshll.u32 s12, $0xA  }
0x2e: {  	s12 =	sadd.s32 s0, s12  }
0x2f: {  	[tilespmem:s7], [sflag:$0x1] =	stream.linear.gather [hbm4b:s12+s3], $0x2000, $0x38;
	[tilespmem:$0x6900] =	vst v63  }
0x30: {  	_ =	swait.ge [sflag:s8], $0x2000  }
0x31: {  	[sflag:s8] =	ssyncset.done $0x0  }
0x32: {  	s14 =	simm.s32 $0x160;
	[sflag:s8] =	ssyncadd.s32 $0xFFFFE000  }
0x33: {  	v8 =	vld [tilespmem:s14+$0xFFFFFFD0]  }
0x34: {  	v9 =	vld [tilespmem:s14+$0xFFFFFFE0]  }
0x35: {  	v6 =	vld [tilespmem:s14+$0x0]  }
0x36: {  	v7 =	vld [tilespmem:s14+$0xFFFFFFF0];
	_ =	sdelay $0x1  }
0x37: {  	v8 =	vand.u32 $0x7FFFFFFF, v8  }
0x38: {  	s15 =	simm.s32 $0x13;
	s16 =	simm.s32 $0x1A0;
	[tilespmem:s14+$0xFFFFFFD0] =	vst v8;
	v8 =	vand.u32 $0x7FFFFFFF, v9  }
.LBB2_3:
0x39: {  	v9 =	vld [tilespmem:s16+$0xFFFFFFD0];
	[tilespmem:s14+$0xFFFFFFE0] =	vst v8;
	v6 =	vand.u32 $0x7FFFFFFF, v6;
	s15 =	sadd.s32 $0x4, s15  }
0x3a: {  	s12 =	simm.s32 $0x20;
	s13 =	simm.s32 $0x2220;
	v8 =	vld [tilespmem:s16+$0xFFFFFFE0];
	v7 =	vand.u32 $0x7FFFFFFF, v7;
	[tilespmem:s14+$0x0] =	vst v6;
	p0 =	slt.u32 s15, $0x20F  }
.Ltmp0:
0x3b: {  	v6 =	vld [tilespmem:s16+$0x0];
	[tilespmem:s14+$0xFFFFFFF0] =	vst v7;
	s14 =	smov.u32 s16;
	(pc) =	sbr.rel @p0 .LBB2_3-.Ltmp0, $3  }
0x3c: {  	v7 =	vld [tilespmem:s16+$0xFFFFFFF0];
	_ =	sdelay $0x1  }
0x3d: {  	v9 =	vand.u32 $0x7FFFFFFF, v9  }
0x3e: {  	s16 =	sadd.s32 $0x40, s16;
	[tilespmem:s14+$0xFFFFFFD0] =	vst v9;
	v8 =	vand.u32 $0x7FFFFFFF, v8  }
0x3f: {  	[tilespmem:s14+$0xFFFFFFE0] =	vst v8;
	v6 =	vand.u32 $0x7FFFFFFF, v6  }
0x40: {  	v7 =	vand.u32 $0x7FFFFFFF, v7;
	[tilespmem:s14+$0x0] =	vst v6  }
0x41: {  	[tilespmem:s14+$0xFFFFFFF0] =	vst v7  }
0x42: {  	v6 =	vld [tilespmem:s12+$0xFFFFFFE0]  }
0x43: {  	v7 =	vld [tilespmem:s12+$0xFFFFFFE1];
	_ =	sdelay $0x4  }
0x44: {  	v6 =	vmax.f32 v6, v7  }
0x45: {  	[tilespmem:s13+$0xFFFFFFE0] =	vst v6  }
0x46: {  	v6 =	vld [tilespmem:s12+$0xFFFFFFF1]  }
0x47: {  	v7 =	vld [tilespmem:s12+$0xFFFFFFF0];
	_ =	sdelay $0x4  }
0x48: {  	v6 =	vmax.f32 v7, v6  }
0x49: {  	[tilespmem:s13+$0xFFFFFFF0] =	vst v6  }
0x4a: {  	v6 =	vld [tilespmem:s12+$0x0]  }
0x4b: {  	v7 =	vld [tilespmem:s12+$0x1];
	_ =	sdelay $0x4  }
0x4c: {  	v6 =	vmax.f32 v6, v7  }
0x4d: {  	[tilespmem:s13+$0x0] =	vst v6  }
0x4e: {  	v6 =	vld [tilespmem:s12+$0x10]  }
0x4f: {  	s15 =	simm.s32 $0x2220;
	s14 =	simm.s32 $0x0;
	v7 =	vld [tilespmem:s12+$0x11]  }
.LBB2_5:
0x50: {  	_ =	sdelay $0x1  }
0x51: {  	s14 =	sadd.s32 $0x4, s14;
	s12 =	sadd.s32 $0x40, s12;
	s13 =	sadd.s32 $0x40, s13  }
0x52: {  	p0 =	slt.u32 s14, $0x218  }
0x53: {  	v6 =	vmax.f32 v6, v7  }
0x54: {  	[tilespmem:s15+$0x10] =	vst v6;
	s15 =	smov.u32 s13  }
0x55: {  	v6 =	vld [tilespmem:s12+$0xFFFFFFE0]  }
0x56: {  	v7 =	vld [tilespmem:s12+$0xFFFFFFE1];
	_ =	sdelay $0x4  }
0x57: {  	v6 =	vmax.f32 v6, v7  }
0x58: {  	[tilespmem:s13+$0xFFFFFFE0] =	vst v6  }
0x59: {  	v6 =	vld [tilespmem:s12+$0xFFFFFFF1]  }
0x5a: {  	v7 =	vld [tilespmem:s12+$0xFFFFFFF0];
	_ =	sdelay $0x4  }
0x5b: {  	v6 =	vmax.f32 v7, v6  }
0x5c: {  	[tilespmem:s13+$0xFFFFFFF0] =	vst v6  }
0x5d: {  	v6 =	vld [tilespmem:s12+$0x0]  }
0x5e: {  	v7 =	vld [tilespmem:s12+$0x1];
	_ =	sdelay $0x3  }
.Ltmp1:
0x5f: {  	(pc) =	sbr.rel @p0 .LBB2_5-.Ltmp1, $4  }
0x60: {  	v6 =	vmax.f32 v6, v7  }
0x61: {  	[tilespmem:s13+$0x0] =	vst v6  }
0x62: {  	v6 =	vld [tilespmem:s12+$0x10]  }
0x63: {  	v7 =	vld [tilespmem:s12+$0x11]  }
0x64: {  	_ =	sdelay $0x3  }
0x65: {  	v6 =	vmax.f32 v6, v7  }
0x66: {  	[tilespmem:s15+$0x10] =	vst v6  }
0x67: {  	v6 =	vld [tilespmem:$0x21C0]  }
0x68: {  	v7 =	vld [tilespmem:$0x21C1];
	_ =	sdelay $0x4  }
0x69: {  	v6 =	vmax.f32 v6, v7  }
0x6a: {  	s12 =	simm.s32 $0x2220;
	[tilespmem:$0x43C0] =	vst v6  }
0x6b: {  	v6 =	vld [tilespmem:s12+$0xFFFFFFE0]  }
0x6c: {  	v7 =	vld [tilespmem:s12+$0xFFFFFFE2];
	_ =	sdelay $0x4  }
0x6d: {  	s13 =	simm.s32 $0x4420;
	v6 =	vmax.f32 v6, v7  }
0x6e: {  	[tilespmem:s13+$0xFFFFFFE0] =	vst v6  }
0x6f: {  	v6 =	vld [tilespmem:s12+$0xFFFFFFF2]  }
0x70: {  	v7 =	vld [tilespmem:s12+$0xFFFFFFF0];
	_ =	sdelay $0x4  }
0x71: {  	v6 =	vmax.f32 v7, v6  }
0x72: {  	[tilespmem:s13+$0xFFFFFFF0] =	vst v6  }
0x73: {  	v6 =	vld [tilespmem:s12+$0x0]  }
0x74: {  	v7 =	vld [tilespmem:s12+$0x2];
	_ =	sdelay $0x4  }
0x75: {  	v6 =	vmax.f32 v6, v7  }
0x76: {  	[tilespmem:s13+$0x0] =	vst v6  }
0x77: {  	v6 =	vld [tilespmem:s12+$0x10]  }
0x78: {  	s14 =	simm.s32 $0x0;
	s15 =	simm.s32 $0x4420;
	v7 =	vld [tilespmem:s12+$0x12]  }
.LBB2_7:
0x79: {  	_ =	sdelay $0x1  }
0x7a: {  	s14 =	sadd.s32 $0x4, s14;
	s12 =	sadd.s32 $0x40, s12;
	s13 =	sadd.s32 $0x40, s13  }
0x7b: {  	p0 =	slt.u32 s14, $0x218  }
0x7c: {  	v6 =	vmax.f32 v6, v7  }
0x7d: {  	[tilespmem:s15+$0x10] =	vst v6;
	s15 =	smov.u32 s13  }
0x7e: {  	v6 =	vld [tilespmem:s12+$0xFFFFFFE0]  }
0x7f: {  	v7 =	vld [tilespmem:s12+$0xFFFFFFE2];
	_ =	sdelay $0x4  }
0x80: {  	v6 =	vmax.f32 v6, v7  }
0x81: {  	[tilespmem:s13+$0xFFFFFFE0] =	vst v6  }
0x82: {  	v6 =	vld [tilespmem:s12+$0xFFFFFFF2]  }
0x83: {  	v7 =	vld [tilespmem:s12+$0xFFFFFFF0];
	_ =	sdelay $0x4  }
0x84: {  	v6 =	vmax.f32 v7, v6  }
0x85: {  	[tilespmem:s13+$0xFFFFFFF0] =	vst v6  }
0x86: {  	v6 =	vld [tilespmem:s12+$0x0]  }
0x87: {  	v7 =	vld [tilespmem:s12+$0x2];
	_ =	sdelay $0x3  }
.Ltmp2:
0x88: {  	(pc) =	sbr.rel @p0 .LBB2_7-.Ltmp2, $4  }
0x89: {  	v6 =	vmax.f32 v6, v7  }
0x8a: {  	[tilespmem:s13+$0x0] =	vst v6  }
0x8b: {  	v6 =	vld [tilespmem:s12+$0x10]  }
0x8c: {  	v7 =	vld [tilespmem:s12+$0x12]  }
0x8d: {  	_ =	sdelay $0x3  }
0x8e: {  	v6 =	vmax.f32 v6, v7  }
0x8f: {  	[tilespmem:s15+$0x10] =	vst v6  }
0x90: {  	v6 =	vld [tilespmem:$0x43C0]  }
0x91: {  	v7 =	vld [tilespmem:$0x43C2];
	_ =	sdelay $0x4  }
0x92: {  	v6 =	vmax.f32 v6, v7  }
0x93: {  	s12 =	simm.s32 $0x4420;
	[tilespmem:$0x65C0] =	vst v6  }
0x94: {  	v6 =	vld [tilespmem:s12+$0xFFFFFFE0]  }
0x95: {  	v7 =	vld [tilespmem:s12+$0xFFFFFFE4];
	_ =	sdelay $0x4  }
0x96: {  	s13 =	simm.s32 $0x2220;
	v6 =	vmax.f32 v6, v7  }
0x97: {  	[tilespmem:s13+$0xFFFFFFE0] =	vst v6  }
0x98: {  	v6 =	vld [tilespmem:s12+$0xFFFFFFF4]  }
0x99: {  	v7 =	vld [tilespmem:s12+$0xFFFFFFF0];
	_ =	sdelay $0x4  }
0x9a: {  	v6 =	vmax.f32 v7, v6  }
0x9b: {  	[tilespmem:s13+$0xFFFFFFF0] =	vst v6  }
0x9c: {  	v6 =	vld [tilespmem:s12+$0x0]  }
0x9d: {  	v7 =	vld [tilespmem:s12+$0x4];
	_ =	sdelay $0x4  }
0x9e: {  	v6 =	vmax.f32 v6, v7  }
0x9f: {  	[tilespmem:s13+$0x0] =	vst v6  }
0xa0: {  	s14 =	simm.s32 $0x0;
	v6 =	vld [tilespmem:s12+$0x10]  }
0xa1: {  	s17 =	simm.s32 $0x2220;
	s16 =	simm.s32 $0x2220;
	s15 =	simm.s32 $0x4420;
	v7 =	vld [tilespmem:s12+$0x14]  }
.LBB2_9:
0xa2: {  	_ =	sdelay $0x1  }
0xa3: {  	s14 =	sadd.s32 $0x4, s14;
	s15 =	sadd.s32 $0x40, s15;
	s17 =	sadd.s32 $0x40, s17  }
0xa4: {  	p0 =	slt.u32 s14, $0x218  }
0xa5: {  	v6 =	vmax.f32 v6, v7  }
0xa6: {  	[tilespmem:s16+$0x10] =	vst v6;
	s16 =	smov.u32 s17  }
0xa7: {  	v6 =	vld [tilespmem:s15+$0xFFFFFFE0]  }
0xa8: {  	v7 =	vld [tilespmem:s15+$0xFFFFFFE4];
	_ =	sdelay $0x4  }
0xa9: {  	v6 =	vmax.f32 v6, v7  }
0xaa: {  	[tilespmem:s17+$0xFFFFFFE0] =	vst v6  }
0xab: {  	v6 =	vld [tilespmem:s15+$0xFFFFFFF4]  }
0xac: {  	v7 =	vld [tilespmem:s15+$0xFFFFFFF0];
	_ =	sdelay $0x4  }
0xad: {  	v6 =	vmax.f32 v7, v6  }
0xae: {  	[tilespmem:s17+$0xFFFFFFF0] =	vst v6  }
0xaf: {  	v6 =	vld [tilespmem:s15+$0x0]  }
0xb0: {  	v7 =	vld [tilespmem:s15+$0x4];
	_ =	sdelay $0x3  }
.Ltmp3:
0xb1: {  	(pc) =	sbr.rel @p0 .LBB2_9-.Ltmp3, $4  }
0xb2: {  	v6 =	vmax.f32 v6, v7  }
0xb3: {  	[tilespmem:s17+$0x0] =	vst v6  }
0xb4: {  	v6 =	vld [tilespmem:s15+$0x10]  }
0xb5: {  	v7 =	vld [tilespmem:s15+$0x14]  }
0xb6: {  	_ =	sdelay $0x3  }
0xb7: {  	v6 =	vmax.f32 v6, v7  }
0xb8: {  	[tilespmem:s16+$0x10] =	vst v6  }
0xb9: {  	v6 =	vld [tilespmem:s13+$0xFFFFFFE0]  }
0xba: {  	v7 =	vld [tilespmem:s13+$0xFFFFFFE8];
	_ =	sdelay $0x4  }
0xbb: {  	v6 =	vmax.f32 v6, v7  }
0xbc: {  	[tilespmem:s12+$0xFFFFFFE0] =	vst v6  }
0xbd: {  	v6 =	vld [tilespmem:s13+$0xFFFFFFF8]  }
0xbe: {  	v7 =	vld [tilespmem:s13+$0xFFFFFFF0];
	_ =	sdelay $0x4  }
0xbf: {  	v6 =	vmax.f32 v7, v6  }
0xc0: {  	[tilespmem:s12+$0xFFFFFFF0] =	vst v6  }
0xc1: {  	v6 =	vld [tilespmem:s13+$0x0]  }
0xc2: {  	v7 =	vld [tilespmem:s13+$0x8];
	_ =	sdelay $0x4  }
0xc3: {  	v6 =	vmax.f32 v6, v7  }
0xc4: {  	[tilespmem:s12+$0x0] =	vst v6  }
0xc5: {  	v6 =	vld [tilespmem:s13+$0x10]  }
0xc6: {  	v7 =	vld [tilespmem:s13+$0x18];
	_ =	sdelay $0x1  }
0xc7: {  	s17 =	simm.s32 $0x4420;
	s16 =	simm.s32 $0x0  }
.LBB2_11:
0xc8: {  	s16 =	sadd.s32 $0x4, s16;
	s13 =	sadd.s32 $0x40, s13;
	s12 =	sadd.s32 $0x40, s12  }
0xc9: {  	p0 =	slt.u32 s16, $0x218  }
0xca: {  	v6 =	vmax.f32 v6, v7  }
0xcb: {  	[tilespmem:s17+$0x10] =	vst v6;
	s17 =	smov.u32 s12  }
0xcc: {  	v6 =	vld [tilespmem:s13+$0xFFFFFFE0]  }
0xcd: {  	v7 =	vld [tilespmem:s13+$0xFFFFFFE8];
	_ =	sdelay $0x4  }
0xce: {  	v6 =	vmax.f32 v6, v7  }
0xcf: {  	[tilespmem:s12+$0xFFFFFFE0] =	vst v6  }
0xd0: {  	v6 =	vld [tilespmem:s13+$0xFFFFFFF8]  }
0xd1: {  	v7 =	vld [tilespmem:s13+$0xFFFFFFF0];
	_ =	sdelay $0x4  }
0xd2: {  	v6 =	vmax.f32 v7, v6  }
0xd3: {  	[tilespmem:s12+$0xFFFFFFF0] =	vst v6  }
0xd4: {  	v6 =	vld [tilespmem:s13+$0x0]  }
0xd5: {  	v7 =	vld [tilespmem:s13+$0x8];
	_ =	sdelay $0x4  }
0xd6: {  	v6 =	vmax.f32 v6, v7  }
.Ltmp4:
0xd7: {  	[tilespmem:s12+$0x0] =	vst v6;
	(pc) =	sbr.rel @p0 .LBB2_11-.Ltmp4, $3  }
0xd8: {  	v6 =	vld [tilespmem:s13+$0x10]  }
0xd9: {  	v7 =	vld [tilespmem:s13+$0x18];
	_ =	sdelay $0x1  }
0xda: {  	s14 =	simm.s32 $0x4420;
	s15 =	simm.s32 $0x2220  }
0xdb: {  	_ =	sdelay $0x1  }
0xdc: {  	v6 =	vmax.f32 v6, v7  }
0xdd: {  	[tilespmem:s17+$0x10] =	vst v6  }
0xde: {  	v6 =	vld [tilespmem:s14+$0xFFFFFFE0]  }
0xdf: {  	v7 =	vld [tilespmem:s14+$0xFFFFFFF0];
	_ =	sdelay $0x4  }
0xe0: {  	v6 =	vmax.f32 v6, v7  }
0xe1: {  	[tilespmem:s15+$0xFFFFFFE0] =	vst v6  }
0xe2: {  	v6 =	vld [tilespmem:s14+$0x0]  }
0xe3: {  	v7 =	vld [tilespmem:s14+$0xFFFFFFF0];
	_ =	sdelay $0x4  }
0xe4: {  	v6 =	vmax.f32 v7, v6  }
0xe5: {  	[tilespmem:s15+$0xFFFFFFF0] =	vst v6  }
0xe6: {  	v6 =	vld [tilespmem:s14+$0x0]  }
0xe7: {  	v7 =	vld [tilespmem:s14+$0x10];
	_ =	sdelay $0x4  }
0xe8: {  	v6 =	vmax.f32 v6, v7  }
0xe9: {  	[tilespmem:s15+$0x0] =	vst v6  }
0xea: {  	v6 =	vld [tilespmem:s14+$0x10]  }
0xeb: {  	s12 =	simm.s32 $0x0;
	s13 =	simm.s32 $0x2220;
	v7 =	vld [tilespmem:s14+$0x20]  }
.LBB2_13:
0xec: {  	_ =	sdelay $0x1  }
0xed: {  	s12 =	sadd.s32 $0x4, s12;
	s14 =	sadd.s32 $0x40, s14;
	s15 =	sadd.s32 $0x40, s15  }
0xee: {  	p0 =	slt.u32 s12, $0x214  }
0xef: {  	v6 =	vmax.f32 v6, v7  }
0xf0: {  	[tilespmem:s13+$0x10] =	vst v6;
	s13 =	smov.u32 s15  }
0xf1: {  	v6 =	vld [tilespmem:s14+$0xFFFFFFE0]  }
0xf2: {  	v7 =	vld [tilespmem:s14+$0xFFFFFFF0];
	_ =	sdelay $0x4  }
0xf3: {  	v6 =	vmax.f32 v6, v7  }
0xf4: {  	[tilespmem:s15+$0xFFFFFFE0] =	vst v6  }
0xf5: {  	v6 =	vld [tilespmem:s14+$0x0]  }
0xf6: {  	v7 =	vld [tilespmem:s14+$0xFFFFFFF0];
	_ =	sdelay $0x4  }
0xf7: {  	v6 =	vmax.f32 v7, v6  }
0xf8: {  	[tilespmem:s15+$0xFFFFFFF0] =	vst v6  }
0xf9: {  	v6 =	vld [tilespmem:s14+$0x0]  }
0xfa: {  	v7 =	vld [tilespmem:s14+$0x10];
	_ =	sdelay $0x3  }
.Ltmp5:
0xfb: {  	(pc) =	sbr.rel @p0 .LBB2_13-.Ltmp5, $4  }
0xfc: {  	v6 =	vmax.f32 v6, v7  }
0xfd: {  	[tilespmem:s15+$0x0] =	vst v6  }
0xfe: {  	v6 =	vld [tilespmem:s14+$0x10]  }
0xff: {  	v7 =	vld [tilespmem:s14+$0x20]  }
0x100: {  	_ =	sdelay $0x3  }
0x101: {  	v6 =	vmax.f32 v6, v7  }
0x102: {  	[tilespmem:s13+$0x10] =	vst v6  }
0x103: {  	v6 =	vld [tilespmem:$0x6580]  }
0x104: {  	v7 =	vld [tilespmem:$0x6590]  }
0x105: {  	v8 =	vld [tilespmem:$0x6590]  }
0x106: {  	v9 =	vld [tilespmem:$0x65A0]  }
0x107: {  	v10 =	vld [tilespmem:$0x65A0]  }
0x108: {  	v11 =	vld [tilespmem:$0x65B0];
	_ =	sdelay $0x2  }
0x109: {  	v6 =	vmax.f32 v6, v7  }
0x10a: {  	[tilespmem:$0x4380] =	vst v6;
	v6 =	vmax.f32 v8, v9  }
0x10b: {  	[tilespmem:$0x4390] =	vst v6;
	v6 =	vmax.f32 v10, v11  }
0x10c: {  	s12 =	simm.s32 $0x2230;
	[tilespmem:$0x43A0] =	vst v6  }
0x10d: {  	v6 =	vld [tilespmem:s12+$0xFFFFFFD0]  }
0x10e: {  	v7 =	vld [tilespmem:s12+$0xFFFFFFF0];
	_ =	sdelay $0x4  }
0x10f: {  	s13 =	simm.s32 $0x4420;
	v6 =	vmax.f32 v6, v7  }
0x110: {  	[tilespmem:s13+$0xFFFFFFE0] =	vst v6  }
0x111: {  	v6 =	vld [tilespmem:s12+$0x0]  }
0x112: {  	v7 =	vld [tilespmem:s12+$0xFFFFFFE0];
	_ =	sdelay $0x4  }
0x113: {  	v6 =	vmax.f32 v7, v6  }
0x114: {  	[tilespmem:s13+$0xFFFFFFF0] =	vst v6  }
0x115: {  	v6 =	vld [tilespmem:s12+$0xFFFFFFF0]  }
0x116: {  	v7 =	vld [tilespmem:s12+$0x10];
	_ =	sdelay $0x4  }
0x117: {  	v6 =	vmax.f32 v6, v7  }
0x118: {  	[tilespmem:s13+$0x0] =	vst v6  }
0x119: {  	v6 =	vld [tilespmem:s12+$0x0]  }
0x11a: {  	s14 =	simm.s32 $0x0;
	s15 =	simm.s32 $0x4420;
	v7 =	vld [tilespmem:s12+$0x20]  }
.LBB2_15:
0x11b: {  	_ =	sdelay $0x1  }
0x11c: {  	s14 =	sadd.s32 $0x4, s14;
	s12 =	sadd.s32 $0x40, s12;
	s13 =	sadd.s32 $0x40, s13  }
0x11d: {  	p0 =	slt.u32 s14, $0x214  }
0x11e: {  	v6 =	vmax.f32 v6, v7  }
0x11f: {  	[tilespmem:s15+$0x10] =	vst v6;
	s15 =	smov.u32 s13  }
0x120: {  	v6 =	vld [tilespmem:s12+$0xFFFFFFD0]  }
0x121: {  	v7 =	vld [tilespmem:s12+$0xFFFFFFF0];
	_ =	sdelay $0x4  }
0x122: {  	v6 =	vmax.f32 v6, v7  }
0x123: {  	[tilespmem:s13+$0xFFFFFFE0] =	vst v6  }
0x124: {  	v6 =	vld [tilespmem:s12+$0x0]  }
0x125: {  	v7 =	vld [tilespmem:s12+$0xFFFFFFE0];
	_ =	sdelay $0x4  }
0x126: {  	v6 =	vmax.f32 v7, v6  }
0x127: {  	[tilespmem:s13+$0xFFFFFFF0] =	vst v6  }
0x128: {  	v6 =	vld [tilespmem:s12+$0xFFFFFFF0]  }
0x129: {  	v7 =	vld [tilespmem:s12+$0x10];
	_ =	sdelay $0x3  }
.Ltmp6:
0x12a: {  	(pc) =	sbr.rel @p0 .LBB2_15-.Ltmp6, $4  }
0x12b: {  	v6 =	vmax.f32 v6, v7  }
0x12c: {  	[tilespmem:s13+$0x0] =	vst v6  }
0x12d: {  	v6 =	vld [tilespmem:s12+$0x0]  }
0x12e: {  	v7 =	vld [tilespmem:s12+$0x20]  }
0x12f: {  	_ =	sdelay $0x3  }
0x130: {  	v6 =	vmax.f32 v6, v7  }
0x131: {  	[tilespmem:s15+$0x10] =	vst v6  }
0x132: {  	v6 =	vld [tilespmem:$0x4380]  }
0x133: {  	v7 =	vld [tilespmem:$0x43A0];
	_ =	sdelay $0x4  }
0x134: {  	v6 =	vmax.f32 v6, v7  }
0x135: {  	s12 =	simm.s32 $0x4440;
	[tilespmem:$0x6580] =	vst v6  }
0x136: {  	v6 =	vld [tilespmem:s12+$0xFFFFFFC0]  }
0x137: {  	v7 =	vld [tilespmem:s12+$0x0];
	_ =	sdelay $0x4  }
0x138: {  	s13 =	simm.s32 $0x2220;
	v6 =	vmax.f32 v6, v7  }
0x139: {  	[tilespmem:s13+$0xFFFFFFE0] =	vst v6  }
0x13a: {  	v6 =	vld [tilespmem:s12+$0x10]  }
0x13b: {  	v7 =	vld [tilespmem:s12+$0xFFFFFFD0];
	_ =	sdelay $0x4  }
0x13c: {  	v6 =	vmax.f32 v7, v6  }
0x13d: {  	[tilespmem:s13+$0xFFFFFFF0] =	vst v6  }
0x13e: {  	v6 =	vld [tilespmem:s12+$0xFFFFFFE0]  }
0x13f: {  	v7 =	vld [tilespmem:s12+$0x20];
	_ =	sdelay $0x4  }
0x140: {  	v6 =	vmax.f32 v6, v7  }
0x141: {  	[tilespmem:s13+$0x0] =	vst v6  }
0x142: {  	v6 =	vld [tilespmem:s12+$0xFFFFFFF0]  }
0x143: {  	s14 =	simm.s32 $0x0;
	s15 =	simm.s32 $0x2220;
	v7 =	vld [tilespmem:s12+$0x30]  }
.LBB2_17:
0x144: {  	_ =	sdelay $0x1  }
0x145: {  	s14 =	sadd.s32 $0x4, s14;
	s12 =	sadd.s32 $0x40, s12;
	s13 =	sadd.s32 $0x40, s13  }
0x146: {  	p0 =	slt.u32 s14, $0x210  }
0x147: {  	v6 =	vmax.f32 v6, v7  }
0x148: {  	[tilespmem:s15+$0x10] =	vst v6;
	s15 =	smov.u32 s13  }
0x149: {  	v6 =	vld [tilespmem:s12+$0xFFFFFFC0]  }
0x14a: {  	v7 =	vld [tilespmem:s12+$0x0];
	_ =	sdelay $0x4  }
0x14b: {  	v6 =	vmax.f32 v6, v7  }
0x14c: {  	[tilespmem:s13+$0xFFFFFFE0] =	vst v6  }
0x14d: {  	v6 =	vld [tilespmem:s12+$0x10]  }
0x14e: {  	v7 =	vld [tilespmem:s12+$0xFFFFFFD0];
	_ =	sdelay $0x4  }
0x14f: {  	v6 =	vmax.f32 v7, v6  }
0x150: {  	[tilespmem:s13+$0xFFFFFFF0] =	vst v6  }
0x151: {  	v6 =	vld [tilespmem:s12+$0xFFFFFFE0]  }
0x152: {  	v7 =	vld [tilespmem:s12+$0x20];
	_ =	sdelay $0x3  }
.Ltmp7:
0x153: {  	(pc) =	sbr.rel @p0 .LBB2_17-.Ltmp7, $4  }
0x154: {  	v6 =	vmax.f32 v6, v7  }
0x155: {  	[tilespmem:s13+$0x0] =	vst v6  }
0x156: {  	v6 =	vld [tilespmem:s12+$0xFFFFFFF0]  }
0x157: {  	v7 =	vld [tilespmem:s12+$0x30]  }
0x158: {  	_ =	sdelay $0x3  }
0x159: {  	v6 =	vmax.f32 v6, v7  }
0x15a: {  	[tilespmem:s15+$0x10] =	vst v6  }
0x15b: {  	v6 =	vld [tilespmem:$0x6540]  }
0x15c: {  	v7 =	vld [tilespmem:$0x6580];
	_ =	sdelay $0x4  }
0x15d: {  	v6 =	vmax.f32 v6, v7  }
0x15e: {  	s12 =	simm.s32 $0x22B0;
	s13 =	simm.s32 $0x0;
	[tilespmem:$0x4340] =	vst v6  }
0x15f: {  	s14 =	sand.u32 $0x3FC0, s13;
	v6 =	vld [tilespmem:s12+$0xFFFFFF50]  }
0x160: {  	v7 =	vld [tilespmem:s14+$0x2280];
	_ =	sdelay $0x4  }
0x161: {  	s14 =	simm.s32 $0x4420;
	v6 =	vmax.f32 v6, v7  }
0x162: {  	[tilespmem:s14+$0xFFFFFFE0] =	vst v6  }
0x163: {  	v6 =	vld [tilespmem:s12+$0xFFFFFF60]  }
0x164: {  	v7 =	vld [tilespmem:s12+$0xFFFFFFE0];
	_ =	sdelay $0x4  }
0x165: {  	v6 =	vmax.f32 v6, v7  }
0x166: {  	[tilespmem:s14+$0xFFFFFFF0] =	vst v6  }
0x167: {  	v6 =	vld [tilespmem:s12+$0xFFFFFF70]  }
0x168: {  	v7 =	vld [tilespmem:s12+$0xFFFFFFF0];
	_ =	sdelay $0x4  }
0x169: {  	v6 =	vmax.f32 v6, v7  }
0x16a: {  	[tilespmem:s14+$0x0] =	vst v6  }
0x16b: {  	v6 =	vld [tilespmem:s12+$0xFFFFFF80]  }
0x16c: {  	v7 =	vld [tilespmem:s12+$0x0];
	_ =	sdelay $0x1  }
0x16d: {  	s16 =	simm.s32 $0x4460;
	s15 =	simm.s32 $0x0  }
.LBB2_19:
0x16e: {  	s15 =	sadd.s32 $0x4, s15;
	s12 =	sadd.s32 $0x40, s12;
	s13 =	sadd.s32 $0x40, s13  }
0x16f: {  	p0 =	slt.u32 s15, $0x208  }
0x170: {  	v6 =	vmax.f32 v6, v7  }
0x171: {  	[tilespmem:s14+$0x10] =	vst v6;
	s14 =	smov.u32 s16  }
0x172: {  	s17 =	sand.u32 $0x3FC0, s13;
	v6 =	vld [tilespmem:s12+$0xFFFFFF50]  }
0x173: {  	v7 =	vld [tilespmem:s17+$0x2280];
	_ =	sdelay $0x4  }
0x174: {  	v6 =	vmax.f32 v6, v7  }
0x175: {  	[tilespmem:s16+$0xFFFFFFE0] =	vst v6  }
0x176: {  	v6 =	vld [tilespmem:s12+$0xFFFFFF60]  }
0x177: {  	v7 =	vld [tilespmem:s12+$0xFFFFFFE0];
	_ =	sdelay $0x4  }
0x178: {  	v6 =	vmax.f32 v6, v7  }
0x179: {  	[tilespmem:s16+$0xFFFFFFF0] =	vst v6  }
0x17a: {  	v6 =	vld [tilespmem:s12+$0xFFFFFF70]  }
0x17b: {  	v7 =	vld [tilespmem:s12+$0xFFFFFFF0];
	_ =	sdelay $0x4  }
0x17c: {  	v6 =	vmax.f32 v6, v7  }
.Ltmp8:
0x17d: {  	[tilespmem:s16+$0x0] =	vst v6;
	(pc) =	sbr.rel @p0 .LBB2_19-.Ltmp8, $3  }
0x17e: {  	v6 =	vld [tilespmem:s12+$0xFFFFFF80]  }
0x17f: {  	v7 =	vld [tilespmem:s12+$0x0];
	_ =	sdelay $0x1  }
0x180: {  	s16 =	sadd.s32 $0x40, s16  }
0x181: {  	_ =	sdelay $0x1  }
0x182: {  	v6 =	vmax.f32 v6, v7  }
0x183: {  	[tilespmem:s14+$0x10] =	vst v6  }
0x184: {  	v6 =	vld [tilespmem:$0x42C0]  }
0x185: {  	v7 =	vld [tilespmem:$0x4340];
	_ =	sdelay $0x4  }
0x186: {  	v6 =	vmax.f32 v6, v7  }
0x187: {  	s12 =	simm.s32 $0x44D7;
	[tilespmem:$0x64C0] =	vst v6  }
0x188: {  	v6 =	vld [tilespmem:s12+$0xFFFFFFC3]  }
0x189: {  	v7 =	vld [tilespmem:s12+$0xFFFFFFF0]  }
0x18a: {  	s13 =	simm.s32 $0x140;
	v8 =	vld [tilespmem:s12+$0xFFFFFFD3]  }
0x18b: {  	v9 =	vld [tilespmem:s13+$0xFFFFFFF0]  }
0x18c: {  	v10 =	vld [tilespmem:s12+$0x0]  }
0x18d: {  	s30 =	simm.s32 $0x44F7;
	v12 =	vld [tilespmem:s13+$0x0]  }
0x18e: {  	v13 =	vld [tilespmem:s30+$0xFFFFFFC3]  }
0x18f: {  	v15 =	vld [tilespmem:s30+$0xFFFFFFF0];
	v6 =	vmax.f32 v6, v7  }
0x190: {  	vm3 =	veq.f32 v9, v6  }
0x191: {  	v16 =	vimm.f32 $-1.000000000e+00;
	v11 =	vld [tilespmem:s30+$0x0];
	v6 =	vmax.f32 v8, v10;
	v8 =	vnsel vm3, $0x0, v9  }
0x192: {  	s31 =	simm.s32 $0x0;
	s13 =	simm.s32 $0x160;
	v10 =	vimm.s32 $0x0;
	vm3 =	veq.f32 v12, v6;
	v9 =	vld [tilespmem:s30+$0xFFFFFFD3];
	vm4 =	vgt.f32 v8, v16  }
0x193: {  	v6 =	vor.u32 s31, v1;
	v14 =	vnsel vm3, $0x0, v12;
	v12 =	vld [tilespmem:s13+$0xFFFFFFF0];
	v8 =	vsel vm4, v8, v16  }
0x194: {  	s12 =	simm.s32 $0x10;
	v6 =	vsel vm4, v6, v10;
	v17 =	vsel vm4, v16, v8;
	v16 =	vmax.f32 v13, v15;
	v13 =	vld [tilespmem:s13+$0x0]  }
0x195: {  	v7 =	vor.u32 s12, v1;
	v10 =	vsel vm4, v10, v6;
	vm4 =	vgt.f32 v14, v17  }
0x196: {  	s15 =	simm.s32 $0x4517;
	s14 =	simm.s32 $0x2;
	vm3 =	vgt.f32 v14, v8;
	v15 =	vsel vm4, v14, v17;
	v10 =	vsel vm4, v7, v10  }
.LBB2_21:
0x197: {  	v17 =	vld [tilespmem:s15+$0xFFFFFFC3];
	v15 =	vsel vm3, v8, v15;
	v10 =	vsel vm3, v6, v10;
	v8 =	vsel vm3, v14, v8  }
0x198: {  	v11 =	vmax.f32 v9, v11;
	v6 =	vsel vm3, v7, v6;
	s12 =	sadd.s32 $0x20, s12;
	s14 =	sadd.s32 $0x2, s14;
	v18 =	vld [tilespmem:s15+$0xFFFFFFF0];
	vm4 =	veq.f32 v12, v16  }
0x199: {  	s16 =	sadd.s32 $0xFFFFFFF0, s12;
	v7 =	vor.u32 s12, v1;
	p0 =	slt.u32 s14, $0x1FE;
	v9 =	vld [tilespmem:s15+$0xFFFFFFD3];
	v19 =	vnsel vm4, $0x0, v12;
	vm3 =	veq.f32 v13, v11  }
.Ltmp9:
0x19a: {  	s13 =	sadd.s32 $0x20, s13;
	v16 =	vor.u32 s16, v1;
	v11 =	vld [tilespmem:s15+$0x0];
	vm4 =	vgt.f32 v19, v15;
	v14 =	vnsel vm3, $0x0, v13;
	(pc) =	sbr.rel @p0 .LBB2_21-.Ltmp9, $4  }
0x19b: {  	vm3 =	vgt.f32 v19, v8;
	v12 =	vld [tilespmem:s13+$0xFFFFFFF0];
	v15 =	vsel vm4, v19, v15;
	v10 =	vsel vm4, v16, v10  }
0x19c: {  	v13 =	vld [tilespmem:s13+$0x0];
	v15 =	vsel vm3, v8, v15;
	v10 =	vsel vm3, v6, v10;
	v6 =	vsel vm3, v16, v6  }
0x19d: {  	v8 =	vsel vm3, v19, v8;
	v16 =	vmax.f32 v17, v18;
	vm4 =	vgt.f32 v14, v15  }
0x19e: {  	s15 =	sadd.s32 $0x20, s15;
	vm3 =	vgt.f32 v14, v8;
	v15 =	vsel vm4, v14, v15;
	v10 =	vsel vm4, v7, v10  }
0x19f: {  	_ = 	snop  }
0x1a0: {  	vm4 =	veq.f32 v12, v16  }
0x1a1: {  	v14 =	vsel vm3, v14, v8;
	v9 =	vmax.f32 v9, v11;
	v53 =	vnsel vm4, $0x0, v12  }
0x1a2: {  	vm5 =	veq.f32 v13, v9;
	vm4 =	vgt.f32 v53, v14  }
0x1a3: {  	v9 =	vnsel vm5, $0x0, v13;
	v12 =	vsel vm4, v53, v14  }
0x1a4: {  	vm5 =	vgt.f32 v9, v12  }
0x1a5: {  	v13 =	vsel vm5, v9, v12  }
0x1a6: {  	v54 =	vperm.xlane v13, v2;
	_ =	sdelay $0x1  }
0x1a7: {  	v16 =	vmax.f32 v13, v54  }
0x1a8: {  	v17 =	vperm.xlane v16, v3;
	_ =	sdelay $0x1  }
0x1a9: {  	v16 =	vmax.f32 v16, v17  }
0x1aa: {  	v17 =	vperm.xlane v16, v4;
	_ =	sdelay $0x1  }
0x1ab: {  	s12 =	sadd.s32 $0x20, s12;
	v16 =	vmax.f32 v16, v17  }
0x1ac: {  	s13 =	sadd.s32 $0xFFFFFFF0, s12;
	v17 =	vperm.xlane v16, v5  }
0x1ad: {  	v7 =	vsel vm3, v7, v6;
	v18 =	vor.u32 s13, v1  }
0x1ae: {  	v19 =	vor.u32 s12, v1;
	v20 =	vsel vm4, v18, v7;
	v16 =	vmax.f32 v16, v17  }
0x1af: {  	v55 =	vsel vm5, v19, v20;
	vm6 =	veq.f32 v13, v16  }
0x1b0: {  	v21 =	vnsel vm6, $0x7FFFFFFF, v55  }
0x1b1: {  	v22 =	vperm.xlane v21, v2;
	_ =	sdelay $0x1  }
0x1b2: {  	vm6 =	vlt.s32 v21, v22  }
0x1b3: {  	v21 =	vsel vm6, v21, v22  }
0x1b4: {  	v22 =	vperm.xlane v21, v3;
	_ =	sdelay $0x1  }
0x1b5: {  	vm6 =	vlt.s32 v21, v22  }
0x1b6: {  	v21 =	vsel vm6, v21, v22  }
0x1b7: {  	v22 =	vperm.xlane v21, v4;
	_ =	sdelay $0x1  }
0x1b8: {  	v56 =	vsel vm3, v8, v15;
	vm6 =	vlt.s32 v21, v22  }
0x1b9: {  	vm15 =	vgt.f32 v53, v56;
	v57 =	vsel vm6, v21, v22  }
0x1ba: {  	v8 =	vsel vm15, v53, v56;
	v58 =	vperm.xlane v57, v5  }
0x1bb: {  	v8 =	vsel vm4, v14, v8  }
0x1bc: {  	vm7 =	vgt.f32 v9, v8;
	vm8 =	vlt.s32 v57, v58  }
0x1bd: {  	v8 =	vsel vm7, v9, v8;
	v59 =	vsel vm8, v57, v58  }
0x1be: {  	v8 =	vsel vm5, v12, v8;
	vm8 =	veq.s32 v55, v59  }
0x1bf: {  	v8 =	vsel vm8, v8, v13  }
0x1c0: {  	v60 =	vperm.xlane v8, v2;
	_ =	sdelay $0x1  }
0x1c1: {  	v11 =	vmax.f32 v8, v60  }
0x1c2: {  	v61 =	vperm.xlane v11, v3;
	_ =	sdelay $0x1  }
0x1c3: {  	v11 =	vmax.f32 v11, v61  }
0x1c4: {  	v12 =	vperm.xlane v11, v4  }
0x1c5: {  	v6 =	vsel vm3, v6, v10  }
0x1c6: {  	v6 =	vsel vm15, v18, v6;
	v62 =	vmax.f32 v11, v12  }
0x1c7: {  	v6 =	vsel vm4, v7, v6;
	v7 =	vperm.xlane v62, v5  }
0x1c8: {  	v6 =	vsel vm7, v19, v6  }
0x1c9: {  	v6 =	vsel vm5, v20, v6;
	v7 =	vmax.f32 v62, v7  }
0x1ca: {  	v6 =	vsel vm8, v6, v55;
	vm3 =	veq.f32 v8, v7  }
0x1cb: {  	v6 =	vnsel vm3, $0x7FFFFFFF, v6  }
0x1cc: {  	v63 =	vperm.xlane v6, v2;
	_ =	sdelay $0x1  }
0x1cd: {  	vm3 =	vlt.s32 v6, v63  }
0x1ce: {  	v6 =	vsel vm3, v6, v63  }
0x1cf: {  	v8 =	vperm.xlane v6, v3;
	_ =	sdelay $0x1  }
0x1d0: {  	vm3 =	vlt.s32 v6, v8  }
0x1d1: {  	v6 =	vsel vm3, v6, v8  }
0x1d2: {  	v8 =	vperm.xlane v6, v4;
	_ =	sdelay $0x1  }
0x1d3: {  	vm3 =	vlt.s32 v6, v8  }
0x1d4: {  	v6 =	vsel vm3, v6, v8  }
0x1d5: {  	s31 =	sshll.u32 s11, $0x4;
	s11 =	sadd.s32 $0x1, s11;
	v8 =	vperm.xlane v6, v5  }
0x1d6: {  	p0 =	sne.s32 s11, $0x30  }
.Ltmp10:
0x1d7: {  	vm3 =	vlt.s32 v6, v8;
	(pc) =	sbr.rel @p0 .LBB2_2-.Ltmp10, $4  }
0x1d8: {  	v6 =	vsel vm3, v6, v8  }
0x1d9: {  	v7 =	vsel vm0, v16, v7;
	v6 =	vsel vm1, v6, v59  }
0x1da: {  	s12 =	sand.u32 $0x3FFFFFF0, s31;
	v6 =	vsel vm2, v7, v6  }
0x1db: {  	[tilespmem:s12+$0x6600] =	vst v6  }
0x1dc: {  	s10 =	sadd.s32 $0x1, s10  }
0x1dd: {  	p0 =	sne.s32 s10, s6  }
.Ltmp11:
0x1de: {  	_ = 	snop;
	(pc) =	sbr.rel @p0 .LBB2_1-.Ltmp11, $4  }
0x1df: {  	[hbm4b:s5+s3] =	stream.linear.scatter [tilespmem:s9], [sflag:$0x1], $0x300, $0x38;
	[tilespmem:$0x6900] =	vst v63  }
0x1e0: {  	_ =	swait.ge [sflag:s8], $0x300  }
0x1e1: {  	[sflag:s8] =	ssyncset.done $0x0  }
0x1e2: {  	[sflag:s8] =	ssyncadd.s32 $0xFFFFFD00  }
0x1e3: {  	_ =	sfence.sel $0x180000  }
0x1e4: {  	[bflag:$0x0] =	sbarrier.arrive $0xFFFF  }
0x1e5: {  	p0 =	sne.s32 s1, $0x0;
	_ =	strace $0x90000047  }
0x1e6: {  	s0 =	sadd.s32 @!p0 $0x100000, s2;
	[bflag:$0x2] =	sbarrier.arrive $0xFFFF  }
0x1e7: {  	[sflag:s0] =	ssyncadd.tile.s32 @!p0 $0x1;
	_ =	shalt  }
.Lfunc_end2:
_tile_overlayer_lowered:
.L_overlay_start_2:
0x1e8: {  	(tag) =	ssettag $0x2  }
0x1e9: {  	s0 =	rddreg [dreg:$0x0];
	s2 =	stileid.u32  }
0x1ea: {  	s1 =	rddreg [dreg:$0x1];
	p0 =	sne.s32 s2, $0x0  }
0x1eb: {  	s3 =	rddreg [dreg:$0x2];
	[bflag:$0x3] =	sbarrier.arrive $0xFFFF;
	s2 =	simm.s32 @!p0 $0x1C01  }
0x1ec: {  	[timem:s3], [sflag:s2] =	dma.local @!p0 [hbm:s0], s1  }
0x1ed: {  	s0 =	simm.s32 @!p0 $0x1  }
0x1ee: {  	_ =	swait.ge @!p0 [sflag:s0], s1  }
0x1ef: {  	s1 =	ssub.s32 @!p0 $0x0, s1;
	[sflag:s0] =	ssyncset.done @!p0 $0x0  }
0x1f0: {  	[sflag:s0] =	ssyncadd.s32 @!p0 s1  }
0x1f1: {  	[bflag:$0x3] =	sbarrier.arrive $0xFFFF  }
0x1f2: {  	_ =	shalt  }

</sc_bundles>
